<compile_context>
chip_gen: v7x
topology: tpu7x:2x2x1
jax: 0.10.2.dev20260603
libtpu: 0.0.44.dev20260713+nightly
codegen_flags: <defaults>
</compile_context>

<pallas_src>
import functools

import jax
import jax.numpy as jnp
from jax import lax
from jax.experimental import pallas as pl
from jax.experimental.pallas import tpu as pltpu
from jax.experimental.pallas import tpu_sc as plsc

_ROWS_BUF = 512
_LANES = 16


@functools.lru_cache(maxsize=None)
def _make_broadcast_kernel(n_rows: int, dim: int):
    info = plsc.get_sparse_core_info()
    nc, ns = info.num_cores, info.num_subcores
    nw = nc * ns
    assert n_rows % nw == 0
    per_w = n_rows // nw
    rows_buf = min(_ROWS_BUF, per_w)
    n_full = per_w // rows_buf
    rem = per_w - n_full * rows_buf
    n_vecs = dim // _LANES

    n_s = n_full * 50 // 100
    n_t = n_full - n_s

    mesh = plsc.VectorSubcoreMesh(core_axis_name="c", subcore_axis_name="s")

    @functools.partial(
        pl.kernel,
        mesh=mesh,
        out_type=jax.ShapeDtypeStruct((n_rows, dim), jnp.float32),
        scratch_types=[
            pltpu.VMEM((rows_buf, dim), jnp.float32),
            pltpu.VMEM_SHARED((rows_buf, dim), jnp.float32),
            pltpu.SemaphoreType.DMA,
        ],
    )
    def broadcast_kernel(w_hbm, out_hbm, buf, shared, sem):
        sid = lax.axis_index("s")
        wid = sid * nc + lax.axis_index("c")
        base = wid * per_w

        pltpu.sync_copy(w_hbm, buf.at[0:1])

        w_vecs = [buf[0, pl.ds(j * _LANES, _LANES)] for j in range(n_vecs)]

        def fill_row(r, carry):
            for j in range(n_vecs):
                buf[r, pl.ds(j * _LANES, _LANES)] = w_vecs[j]
            return carry

        lax.fori_loop(1, rows_buf, fill_row, 0)

        copies = []
        for i in range(n_t):
            copies.append(
                pltpu.async_copy(
                    buf, out_hbm.at[pl.ds(base + i * rows_buf, rows_buf)], sem
                )
            )
        if rem:
            copies.append(
                pltpu.async_copy(
                    buf.at[0:rem],
                    out_hbm.at[pl.ds(base + n_full * rows_buf, rem)],
                    sem,
                )
            )

        @pl.when(sid == 0)
        def _():
            pltpu.sync_copy(buf, shared)

        plsc.subcore_barrier()

        for i in range(n_t, n_full):
            copies.append(
                pltpu.async_copy(
                    shared, out_hbm.at[pl.ds(base + i * rows_buf, rows_buf)], sem
                )
            )
        for c in copies:
            c.wait()

    return broadcast_kernel


def kernel(edge_index, W):
    n_rows = edge_index.shape[1]
    dim = W.shape[1]
    return _make_broadcast_kernel(n_rows, dim)(W.astype(jnp.float32))

# --- scband reference (transcript-rebuilt; emitter-appended) ---
"""Pipeline reference for scband-dummy-edge-encoder-68925635166805 (READ-ONLY COPY).

The authoritative reference and input builder live on the scoring server;
editing this copy changes nothing except your own understanding.
"""

import jax, jax.numpy as jnp
import numpy as np

EMB_DIM = 128
N_NODES = 10000
N_EDGES = 640000

def setup_inputs(seed: int = 0) -> dict:
    key = jax.random.key(seed)
    k1, k2 = jax.random.split(key)
    edge_index = jax.random.randint(k1, (2, N_EDGES), 0, N_NODES, dtype=jnp.int64 if jax.config.jax_enable_x64 else jnp.int32).astype(jnp.int32)
    # Embedding table: num_embeddings=1, embedding_dim=EMB_DIM (torch.nn.Embedding default init ~ N(0,1))
    W = jax.random.normal(k2, (1, EMB_DIM), dtype=jnp.float32)
    return {"edge_index": edge_index, "W": W}

def reference(edge_index, W):
    # dummy_attr = edge_index.new_zeros(edge_index.shape[1])
    E = edge_index.shape[1]
    dummy_attr = jnp.zeros((E,), dtype=jnp.int32)
    # batch.edge_attr = self.encoder(dummy_attr)  -> embedding lookup (gather)
    edge_attr = jnp.take(W, dummy_attr, axis=0)
    return edge_attr

if __name__ == "__main__":
    import jax
    _d = setup_inputs()
    print(jax.jit(kernel)(*tuple(_d.values())))

</pallas_src>

<mosaic_0001>
#map = affine_map<(d0, d1) -> (0, 0)>
module attributes {stable_mosaic.version = 14 : i64} {
  func.func @broadcast_kernel(%arg0: i32, %arg1: i32, %arg2: memref<1x128xf32, #tpu.memory_space<hbm>>, %arg3: memref<640000x128xf32, #tpu.memory_space<hbm>>, %arg4: memref<512x128xf32, #tpu.memory_space<vmem>>, %arg5: memref<512x128xf32, #tpu.memory_space<vmem_shared>>, %arg6: memref<!tpu.dma_semaphore, #tpu.memory_space<semaphore_mem>>) attributes {dimension_semantics = [#tpu.dimension_semantics<core_parallel>, #tpu.dimension_semantics<subcore_parallel>], iteration_bounds = array<i64: 2, 16>, scalar_prefetch = 0 : i64, scratch_operands = 3 : i64, tpu.core_type = #tpu.core_type<sc_vector_subcore>, window_params = [{transform_indices = #map}, {transform_indices = #map}]} {
    %mul3A = arith.constant 2 : i32
    %mul3A_0 = arith.muli %arg1, %mul3A : i32
    %add3A = arith.addi %mul3A_0, %arg0 : i32
    %mul3A_1 = arith.constant 20000 : i32
    %mul3A_2 = arith.muli %add3A, %mul3A_1 : i32
    "tpu.region"() ({
      %run_scoped3A = tpu.sem_alloc : memref<!tpu.dma_semaphore, #tpu.memory_space<semaphore_mem>>
      %dma_start3A_383 = arith.constant 0 : i32
      %dma_start3A_384 = arith.constant 0 : i32
      %dma_start3A_385 = tpu.memref_slice %arg4[%dma_start3A_383, %dma_start3A_384] : memref<512x128xf32, #tpu.memory_space<vmem>> -> memref<1x128xf32, #tpu.memory_space<vmem>>
      %dma_start3A_386 = arith.constant 0 : i32
      %dma_start3A_387 = arith.constant 0 : i32
      %dma_start3A_388 = tpu.memref_slice %arg4[%dma_start3A_386, %dma_start3A_387] : memref<512x128xf32, #tpu.memory_space<vmem>> -> memref<1x128xf32, #tpu.memory_space<vmem>>
      tpu.enqueue_dma source(%arg2 : memref<1x128xf32, #tpu.memory_space<hbm>>) target(%dma_start3A_388 : memref<1x128xf32, #tpu.memory_space<vmem>>) target_semaphore(%run_scoped3A : memref<!tpu.dma_semaphore, #tpu.memory_space<semaphore_mem>>)
      %dma_wait3A_389 = arith.constant 0 : i32
      %dma_wait3A_390 = arith.constant 0 : i32
      %dma_wait3A_391 = tpu.memref_slice %arg4[%dma_wait3A_389, %dma_wait3A_390] : memref<512x128xf32, #tpu.memory_space<vmem>> -> memref<1x128xf32, #tpu.memory_space<vmem>>
      %dma_wait3A_392 = arith.constant 0 : i32
      %dma_wait3A_393 = arith.constant 0 : i32
      %dma_wait3A_394 = tpu.memref_slice %arg4[%dma_wait3A_392, %dma_wait3A_393] : memref<512x128xf32, #tpu.memory_space<vmem>> -> memref<1x128xf32, #tpu.memory_space<vmem>>
      tpu.wait_dma2 semaphore(%run_scoped3A : memref<!tpu.dma_semaphore, #tpu.memory_space<semaphore_mem>>) src(%arg2 : memref<1x128xf32, #tpu.memory_space<hbm>>) dst(%dma_wait3A_394 : memref<1x128xf32, #tpu.memory_space<vmem>>)
      tpu.yield
    }) : () -> ()
    %get3A = arith.constant 0 : i32
    %get3A_3 = arith.index_cast %get3A : i32 to index
    %get3A_4 = arith.constant 0 : index
    %get3A_5 = tpu.vector_load %arg4[%get3A_3, %get3A_4] {strides = array<i32>} : memref<512x128xf32, #tpu.memory_space<vmem>>, vector<1x16xf32>,
    %get3A_6 = vector.shape_cast %get3A_5 : vector<1x16xf32> to vector<16xf32>
    %get3A_7 = arith.constant 0 : i32
    %get3A_8 = arith.index_cast %get3A_7 : i32 to index
    %get3A_9 = arith.constant 16 : index
    %get3A_10 = tpu.vector_load %arg4[%get3A_8, %get3A_9] {strides = array<i32>} : memref<512x128xf32, #tpu.memory_space<vmem>>, vector<1x16xf32>,
    %get3A_11 = vector.shape_cast %get3A_10 : vector<1x16xf32> to vector<16xf32>
    %get3A_12 = arith.constant 0 : i32
    %get3A_13 = arith.index_cast %get3A_12 : i32 to index
    %get3A_14 = arith.constant 32 : index
    %get3A_15 = tpu.vector_load %arg4[%get3A_13, %get3A_14] {strides = array<i32>} : memref<512x128xf32, #tpu.memory_space<vmem>>, vector<1x16xf32>,
    %get3A_16 = vector.shape_cast %get3A_15 : vector<1x16xf32> to vector<16xf32>
    %get3A_17 = arith.constant 0 : i32
    %get3A_18 = arith.index_cast %get3A_17 : i32 to index
    %get3A_19 = arith.constant 48 : index
    %get3A_20 = tpu.vector_load %arg4[%get3A_18, %get3A_19] {strides = array<i32>} : memref<512x128xf32, #tpu.memory_space<vmem>>, vector<1x16xf32>,
    %get3A_21 = vector.shape_cast %get3A_20 : vector<1x16xf32> to vector<16xf32>
    %get3A_22 = arith.constant 0 : i32
    %get3A_23 = arith.index_cast %get3A_22 : i32 to index
    %get3A_24 = arith.constant 64 : index
    %get3A_25 = tpu.vector_load %arg4[%get3A_23, %get3A_24] {strides = array<i32>} : memref<512x128xf32, #tpu.memory_space<vmem>>, vector<1x16xf32>,
    %get3A_26 = vector.shape_cast %get3A_25 : vector<1x16xf32> to vector<16xf32>
    %get3A_27 = arith.constant 0 : i32
    %get3A_28 = arith.index_cast %get3A_27 : i32 to index
    %get3A_29 = arith.constant 80 : index
    %get3A_30 = tpu.vector_load %arg4[%get3A_28, %get3A_29] {strides = array<i32>} : memref<512x128xf32, #tpu.memory_space<vmem>>, vector<1x16xf32>,
    %get3A_31 = vector.shape_cast %get3A_30 : vector<1x16xf32> to vector<16xf32>
    %get3A_32 = arith.constant 0 : i32
    %get3A_33 = arith.index_cast %get3A_32 : i32 to index
    %get3A_34 = arith.constant 96 : index
    %get3A_35 = tpu.vector_load %arg4[%get3A_33, %get3A_34] {strides = array<i32>} : memref<512x128xf32, #tpu.memory_space<vmem>>, vector<1x16xf32>,
    %get3A_36 = vector.shape_cast %get3A_35 : vector<1x16xf32> to vector<16xf32>
    %get3A_37 = arith.constant 0 : i32
    %get3A_38 = arith.index_cast %get3A_37 : i32 to index
    %get3A_39 = arith.constant 112 : index
    %get3A_40 = tpu.vector_load %arg4[%get3A_38, %get3A_39] {strides = array<i32>} : memref<512x128xf32, #tpu.memory_space<vmem>>, vector<1x16xf32>,
    %get3A_41 = vector.shape_cast %get3A_40 : vector<1x16xf32> to vector<16xf32>
    %scan3A = arith.constant 0 : i32
    %scan3A_42 = arith.constant 1 : i32
    %scan3A_43 = arith.constant 511 : i32
    %scan3A_44 = arith.addi %scan3A_42, %scan3A_43 : i32
    %scan3A_45 = arith.constant 1 : i32
    scf.for %scan3A_383 = %scan3A_42 to %scan3A_44 step %scan3A_45  : i32 {
      %swap3A = arith.index_cast %scan3A_383 : i32 to index
      %swap3A_384 = arith.constant 0 : index
      %swap3A_385 = tpu.vector_load %arg4[%swap3A, %swap3A_384] {strides = array<i32>} : memref<512x128xf32, #tpu.memory_space<vmem>>, vector<1x16xf32>,
      %swap3A_386 = vector.shape_cast %swap3A_385 : vector<1x16xf32> to vector<16xf32>
      %swap3A_387 = vector.shape_cast %get3A_6 : vector<16xf32> to vector<1x16xf32>
      tpu.vector_store %arg4[%swap3A, %swap3A_384], %swap3A_387 {strides = array<i32>} : memref<512x128xf32, #tpu.memory_space<vmem>>, vector<1x16xf32>,
      %swap3A_388 = arith.index_cast %scan3A_383 : i32 to index
      %swap3A_389 = arith.constant 16 : index
      %swap3A_390 = tpu.vector_load %arg4[%swap3A_388, %swap3A_389] {strides = array<i32>} : memref<512x128xf32, #tpu.memory_space<vmem>>, vector<1x16xf32>,
      %swap3A_391 = vector.shape_cast %swap3A_390 : vector<1x16xf32> to vector<16xf32>
      %swap3A_392 = vector.shape_cast %get3A_11 : vector<16xf32> to vector<1x16xf32>
      tpu.vector_store %arg4[%swap3A_388, %swap3A_389], %swap3A_392 {strides = array<i32>} : memref<512x128xf32, #tpu.memory_space<vmem>>, vector<1x16xf32>,
      %swap3A_393 = arith.index_cast %scan3A_383 : i32 to index
      %swap3A_394 = arith.constant 32 : index
      %swap3A_395 = tpu.vector_load %arg4[%swap3A_393, %swap3A_394] {strides = array<i32>} : memref<512x128xf32, #tpu.memory_space<vmem>>, vector<1x16xf32>,
      %swap3A_396 = vector.shape_cast %swap3A_395 : vector<1x16xf32> to vector<16xf32>
      %swap3A_397 = vector.shape_cast %get3A_16 : vector<16xf32> to vector<1x16xf32>
      tpu.vector_store %arg4[%swap3A_393, %swap3A_394], %swap3A_397 {strides = array<i32>} : memref<512x128xf32, #tpu.memory_space<vmem>>, vector<1x16xf32>,
      %swap3A_398 = arith.index_cast %scan3A_383 : i32 to index
      %swap3A_399 = arith.constant 48 : index
      %swap3A_400 = tpu.vector_load %arg4[%swap3A_398, %swap3A_399] {strides = array<i32>} : memref<512x128xf32, #tpu.memory_space<vmem>>, vector<1x16xf32>,
      %swap3A_401 = vector.shape_cast %swap3A_400 : vector<1x16xf32> to vector<16xf32>
      %swap3A_402 = vector.shape_cast %get3A_21 : vector<16xf32> to vector<1x16xf32>
      tpu.vector_store %arg4[%swap3A_398, %swap3A_399], %swap3A_402 {strides = array<i32>} : memref<512x128xf32, #tpu.memory_space<vmem>>, vector<1x16xf32>,
      %swap3A_403 = arith.index_cast %scan3A_383 : i32 to index
      %swap3A_404 = arith.constant 64 : index
      %swap3A_405 = tpu.vector_load %arg4[%swap3A_403, %swap3A_404] {strides = array<i32>} : memref<512x128xf32, #tpu.memory_space<vmem>>, vector<1x16xf32>,
      %swap3A_406 = vector.shape_cast %swap3A_405 : vector<1x16xf32> to vector<16xf32>
      %swap3A_407 = vector.shape_cast %get3A_26 : vector<16xf32> to vector<1x16xf32>
      tpu.vector_store %arg4[%swap3A_403, %swap3A_404], %swap3A_407 {strides = array<i32>} : memref<512x128xf32, #tpu.memory_space<vmem>>, vector<1x16xf32>,
      %swap3A_408 = arith.index_cast %scan3A_383 : i32 to index
      %swap3A_409 = arith.constant 80 : index
      %swap3A_410 = tpu.vector_load %arg4[%swap3A_408, %swap3A_409] {strides = array<i32>} : memref<512x128xf32, #tpu.memory_space<vmem>>, vector<1x16xf32>,
      %swap3A_411 = vector.shape_cast %swap3A_410 : vector<1x16xf32> to vector<16xf32>
      %swap3A_412 = vector.shape_cast %get3A_31 : vector<16xf32> to vector<1x16xf32>
      tpu.vector_store %arg4[%swap3A_408, %swap3A_409], %swap3A_412 {strides = array<i32>} : memref<512x128xf32, #tpu.memory_space<vmem>>, vector<1x16xf32>,
      %swap3A_413 = arith.index_cast %scan3A_383 : i32 to index
      %swap3A_414 = arith.constant 96 : index
      %swap3A_415 = tpu.vector_load %arg4[%swap3A_413, %swap3A_414] {strides = array<i32>} : memref<512x128xf32, #tpu.memory_space<vmem>>, vector<1x16xf32>,
      %swap3A_416 = vector.shape_cast %swap3A_415 : vector<1x16xf32> to vector<16xf32>
      %swap3A_417 = vector.shape_cast %get3A_36 : vector<16xf32> to vector<1x16xf32>
      tpu.vector_store %arg4[%swap3A_413, %swap3A_414], %swap3A_417 {strides = array<i32>} : memref<512x128xf32, #tpu.memory_space<vmem>>, vector<1x16xf32>,
      %swap3A_418 = arith.index_cast %scan3A_383 : i32 to index
      %swap3A_419 = arith.constant 112 : index
      %swap3A_420 = tpu.vector_load %arg4[%swap3A_418, %swap3A_419] {strides = array<i32>} : memref<512x128xf32, #tpu.memory_space<vmem>>, vector<1x16xf32>,
      %swap3A_421 = vector.shape_cast %swap3A_420 : vector<1x16xf32> to vector<16xf32>
      %swap3A_422 = vector.shape_cast %get3A_41 : vector<16xf32> to vector<1x16xf32>
      tpu.vector_store %arg4[%swap3A_418, %swap3A_419], %swap3A_422 {strides = array<i32>} : memref<512x128xf32, #tpu.memory_space<vmem>>, vector<1x16xf32>,
    }
    %scan3A_46 = arith.constant 511 : i32
    %add3A_47 = arith.constant 0 : i32
    %add3A_48 = arith.addi %mul3A_2, %add3A_47 : i32
    %dma_start3A = arith.constant 0 : i32
    %dma_start3A_49 = tpu.memref_slice %arg3[%add3A_48, %dma_start3A] : memref<640000x128xf32, #tpu.memory_space<hbm>> -> memref<512x128xf32, #tpu.memory_space<hbm>>
    %dma_start3A_50 = arith.constant 0 : i32
    %dma_start3A_51 = tpu.memref_slice %arg3[%add3A_48, %dma_start3A_50] : memref<640000x128xf32, #tpu.memory_space<hbm>> -> memref<512x128xf32, #tpu.memory_space<hbm>>
    tpu.enqueue_dma source(%arg4 : memref<512x128xf32, #tpu.memory_space<vmem>>) target(%dma_start3A_51 : memref<512x128xf32, #tpu.memory_space<hbm>>) target_semaphore(%arg6 : memref<!tpu.dma_semaphore, #tpu.memory_space<semaphore_mem>>)
    %add3A_52 = arith.constant 512 : i32
    %add3A_53 = arith.addi %mul3A_2, %add3A_52 : i32
    %dma_start3A_54 = arith.constant 0 : i32
    %dma_start3A_55 = tpu.memref_slice %arg3[%add3A_53, %dma_start3A_54] : memref<640000x128xf32, #tpu.memory_space<hbm>> -> memref<512x128xf32, #tpu.memory_space<hbm>>
    %dma_start3A_56 = arith.constant 0 : i32
    %dma_start3A_57 = tpu.memref_slice %arg3[%add3A_53, %dma_start3A_56] : memref<640000x128xf32, #tpu.memory_space<hbm>> -> memref<512x128xf32, #tpu.memory_space<hbm>>
    tpu.enqueue_dma source(%arg4 : memref<512x128xf32, #tpu.memory_space<vmem>>) target(%dma_start3A_57 : memref<512x128xf32, #tpu.memory_space<hbm>>) target_semaphore(%arg6 : memref<!tpu.dma_semaphore, #tpu.memory_space<semaphore_mem>>)
    %add3A_58 = arith.constant 1024 : i32
    %add3A_59 = arith.addi %mul3A_2, %add3A_58 : i32
    %dma_start3A_60 = arith.constant 0 : i32
    %dma_start3A_61 = tpu.memref_slice %arg3[%add3A_59, %dma_start3A_60] : memref<640000x128xf32, #tpu.memory_space<hbm>> -> memref<512x128xf32, #tpu.memory_space<hbm>>
    %dma_start3A_62 = arith.constant 0 : i32
    %dma_start3A_63 = tpu.memref_slice %arg3[%add3A_59, %dma_start3A_62] : memref<640000x128xf32, #tpu.memory_space<hbm>> -> memref<512x128xf32, #tpu.memory_space<hbm>>
    tpu.enqueue_dma source(%arg4 : memref<512x128xf32, #tpu.memory_space<vmem>>) target(%dma_start3A_63 : memref<512x128xf32, #tpu.memory_space<hbm>>) target_semaphore(%arg6 : memref<!tpu.dma_semaphore, #tpu.memory_space<semaphore_mem>>)
    %add3A_64 = arith.constant 1536 : i32
    %add3A_65 = arith.addi %mul3A_2, %add3A_64 : i32
    %dma_start3A_66 = arith.constant 0 : i32
    %dma_start3A_67 = tpu.memref_slice %arg3[%add3A_65, %dma_start3A_66] : memref<640000x128xf32, #tpu.memory_space<hbm>> -> memref<512x128xf32, #tpu.memory_space<hbm>>
    %dma_start3A_68 = arith.constant 0 : i32
    %dma_start3A_69 = tpu.memref_slice %arg3[%add3A_65, %dma_start3A_68] : memref<640000x128xf32, #tpu.memory_space<hbm>> -> memref<512x128xf32, #tpu.memory_space<hbm>>
    tpu.enqueue_dma source(%arg4 : memref<512x128xf32, #tpu.memory_space<vmem>>) target(%dma_start3A_69 : memref<512x128xf32, #tpu.memory_space<hbm>>) target_semaphore(%arg6 : memref<!tpu.dma_semaphore, #tpu.memory_space<semaphore_mem>>)
    %add3A_70 = arith.constant 2048 : i32
    %add3A_71 = arith.addi %mul3A_2, %add3A_70 : i32
    %dma_start3A_72 = arith.constant 0 : i32
    %dma_start3A_73 = tpu.memref_slice %arg3[%add3A_71, %dma_start3A_72] : memref<640000x128xf32, #tpu.memory_space<hbm>> -> memref<512x128xf32, #tpu.memory_space<hbm>>
    %dma_start3A_74 = arith.constant 0 : i32
    %dma_start3A_75 = tpu.memref_slice %arg3[%add3A_71, %dma_start3A_74] : memref<640000x128xf32, #tpu.memory_space<hbm>> -> memref<512x128xf32, #tpu.memory_space<hbm>>
    tpu.enqueue_dma source(%arg4 : memref<512x128xf32, #tpu.memory_space<vmem>>) target(%dma_start3A_75 : memref<512x128xf32, #tpu.memory_space<hbm>>) target_semaphore(%arg6 : memref<!tpu.dma_semaphore, #tpu.memory_space<semaphore_mem>>)
    %add3A_76 = arith.constant 2560 : i32
    %add3A_77 = arith.addi %mul3A_2, %add3A_76 : i32
    %dma_start3A_78 = arith.constant 0 : i32
    %dma_start3A_79 = tpu.memref_slice %arg3[%add3A_77, %dma_start3A_78] : memref<640000x128xf32, #tpu.memory_space<hbm>> -> memref<512x128xf32, #tpu.memory_space<hbm>>
    %dma_start3A_80 = arith.constant 0 : i32
    %dma_start3A_81 = tpu.memref_slice %arg3[%add3A_77, %dma_start3A_80] : memref<640000x128xf32, #tpu.memory_space<hbm>> -> memref<512x128xf32, #tpu.memory_space<hbm>>
    tpu.enqueue_dma source(%arg4 : memref<512x128xf32, #tpu.memory_space<vmem>>) target(%dma_start3A_81 : memref<512x128xf32, #tpu.memory_space<hbm>>) target_semaphore(%arg6 : memref<!tpu.dma_semaphore, #tpu.memory_space<semaphore_mem>>)
    %add3A_82 = arith.constant 3072 : i32
    %add3A_83 = arith.addi %mul3A_2, %add3A_82 : i32
    %dma_start3A_84 = arith.constant 0 : i32
    %dma_start3A_85 = tpu.memref_slice %arg3[%add3A_83, %dma_start3A_84] : memref<640000x128xf32, #tpu.memory_space<hbm>> -> memref<512x128xf32, #tpu.memory_space<hbm>>
    %dma_start3A_86 = arith.constant 0 : i32
    %dma_start3A_87 = tpu.memref_slice %arg3[%add3A_83, %dma_start3A_86] : memref<640000x128xf32, #tpu.memory_space<hbm>> -> memref<512x128xf32, #tpu.memory_space<hbm>>
    tpu.enqueue_dma source(%arg4 : memref<512x128xf32, #tpu.memory_space<vmem>>) target(%dma_start3A_87 : memref<512x128xf32, #tpu.memory_space<hbm>>) target_semaphore(%arg6 : memref<!tpu.dma_semaphore, #tpu.memory_space<semaphore_mem>>)
    %add3A_88 = arith.constant 3584 : i32
    %add3A_89 = arith.addi %mul3A_2, %add3A_88 : i32
    %dma_start3A_90 = arith.constant 0 : i32
    %dma_start3A_91 = tpu.memref_slice %arg3[%add3A_89, %dma_start3A_90] : memref<640000x128xf32, #tpu.memory_space<hbm>> -> memref<512x128xf32, #tpu.memory_space<hbm>>
    %dma_start3A_92 = arith.constant 0 : i32
    %dma_start3A_93 = tpu.memref_slice %arg3[%add3A_89, %dma_start3A_92] : memref<640000x128xf32, #tpu.memory_space<hbm>> -> memref<512x128xf32, #tpu.memory_space<hbm>>
    tpu.enqueue_dma source(%arg4 : memref<512x128xf32, #tpu.memory_space<vmem>>) target(%dma_start3A_93 : memref<512x128xf32, #tpu.memory_space<hbm>>) target_semaphore(%arg6 : memref<!tpu.dma_semaphore, #tpu.memory_space<semaphore_mem>>)
    %add3A_94 = arith.constant 4096 : i32
    %add3A_95 = arith.addi %mul3A_2, %add3A_94 : i32
    %dma_start3A_96 = arith.constant 0 : i32
    %dma_start3A_97 = tpu.memref_slice %arg3[%add3A_95, %dma_start3A_96] : memref<640000x128xf32, #tpu.memory_space<hbm>> -> memref<512x128xf32, #tpu.memory_space<hbm>>
    %dma_start3A_98 = arith.constant 0 : i32
    %dma_start3A_99 = tpu.memref_slice %arg3[%add3A_95, %dma_start3A_98] : memref<640000x128xf32, #tpu.memory_space<hbm>> -> memref<512x128xf32, #tpu.memory_space<hbm>>
    tpu.enqueue_dma source(%arg4 : memref<512x128xf32, #tpu.memory_space<vmem>>) target(%dma_start3A_99 : memref<512x128xf32, #tpu.memory_space<hbm>>) target_semaphore(%arg6 : memref<!tpu.dma_semaphore, #tpu.memory_space<semaphore_mem>>)
    %add3A_100 = arith.constant 4608 : i32
    %add3A_101 = arith.addi %mul3A_2, %add3A_100 : i32
    %dma_start3A_102 = arith.constant 0 : i32
    %dma_start3A_103 = tpu.memref_slice %arg3[%add3A_101, %dma_start3A_102] : memref<640000x128xf32, #tpu.memory_space<hbm>> -> memref<512x128xf32, #tpu.memory_space<hbm>>
    %dma_start3A_104 = arith.constant 0 : i32
    %dma_start3A_105 = tpu.memref_slice %arg3[%add3A_101, %dma_start3A_104] : memref<640000x128xf32, #tpu.memory_space<hbm>> -> memref<512x128xf32, #tpu.memory_space<hbm>>
    tpu.enqueue_dma source(%arg4 : memref<512x128xf32, #tpu.memory_space<vmem>>) target(%dma_start3A_105 : memref<512x128xf32, #tpu.memory_space<hbm>>) target_semaphore(%arg6 : memref<!tpu.dma_semaphore, #tpu.memory_space<semaphore_mem>>)
    %add3A_106 = arith.constant 5120 : i32
    %add3A_107 = arith.addi %mul3A_2, %add3A_106 : i32
    %dma_start3A_108 = arith.constant 0 : i32
    %dma_start3A_109 = tpu.memref_slice %arg3[%add3A_107, %dma_start3A_108] : memref<640000x128xf32, #tpu.memory_space<hbm>> -> memref<512x128xf32, #tpu.memory_space<hbm>>
    %dma_start3A_110 = arith.constant 0 : i32
    %dma_start3A_111 = tpu.memref_slice %arg3[%add3A_107, %dma_start3A_110] : memref<640000x128xf32, #tpu.memory_space<hbm>> -> memref<512x128xf32, #tpu.memory_space<hbm>>
    tpu.enqueue_dma source(%arg4 : memref<512x128xf32, #tpu.memory_space<vmem>>) target(%dma_start3A_111 : memref<512x128xf32, #tpu.memory_space<hbm>>) target_semaphore(%arg6 : memref<!tpu.dma_semaphore, #tpu.memory_space<semaphore_mem>>)
    %add3A_112 = arith.constant 5632 : i32
    %add3A_113 = arith.addi %mul3A_2, %add3A_112 : i32
    %dma_start3A_114 = arith.constant 0 : i32
    %dma_start3A_115 = tpu.memref_slice %arg3[%add3A_113, %dma_start3A_114] : memref<640000x128xf32, #tpu.memory_space<hbm>> -> memref<512x128xf32, #tpu.memory_space<hbm>>
    %dma_start3A_116 = arith.constant 0 : i32
    %dma_start3A_117 = tpu.memref_slice %arg3[%add3A_113, %dma_start3A_116] : memref<640000x128xf32, #tpu.memory_space<hbm>> -> memref<512x128xf32, #tpu.memory_space<hbm>>
    tpu.enqueue_dma source(%arg4 : memref<512x128xf32, #tpu.memory_space<vmem>>) target(%dma_start3A_117 : memref<512x128xf32, #tpu.memory_space<hbm>>) target_semaphore(%arg6 : memref<!tpu.dma_semaphore, #tpu.memory_space<semaphore_mem>>)
    %add3A_118 = arith.constant 6144 : i32
    %add3A_119 = arith.addi %mul3A_2, %add3A_118 : i32
    %dma_start3A_120 = arith.constant 0 : i32
    %dma_start3A_121 = tpu.memref_slice %arg3[%add3A_119, %dma_start3A_120] : memref<640000x128xf32, #tpu.memory_space<hbm>> -> memref<512x128xf32, #tpu.memory_space<hbm>>
    %dma_start3A_122 = arith.constant 0 : i32
    %dma_start3A_123 = tpu.memref_slice %arg3[%add3A_119, %dma_start3A_122] : memref<640000x128xf32, #tpu.memory_space<hbm>> -> memref<512x128xf32, #tpu.memory_space<hbm>>
    tpu.enqueue_dma source(%arg4 : memref<512x128xf32, #tpu.memory_space<vmem>>) target(%dma_start3A_123 : memref<512x128xf32, #tpu.memory_space<hbm>>) target_semaphore(%arg6 : memref<!tpu.dma_semaphore, #tpu.memory_space<semaphore_mem>>)
    %add3A_124 = arith.constant 6656 : i32
    %add3A_125 = arith.addi %mul3A_2, %add3A_124 : i32
    %dma_start3A_126 = arith.constant 0 : i32
    %dma_start3A_127 = tpu.memref_slice %arg3[%add3A_125, %dma_start3A_126] : memref<640000x128xf32, #tpu.memory_space<hbm>> -> memref<512x128xf32, #tpu.memory_space<hbm>>
    %dma_start3A_128 = arith.constant 0 : i32
    %dma_start3A_129 = tpu.memref_slice %arg3[%add3A_125, %dma_start3A_128] : memref<640000x128xf32, #tpu.memory_space<hbm>> -> memref<512x128xf32, #tpu.memory_space<hbm>>
    tpu.enqueue_dma source(%arg4 : memref<512x128xf32, #tpu.memory_space<vmem>>) target(%dma_start3A_129 : memref<512x128xf32, #tpu.memory_space<hbm>>) target_semaphore(%arg6 : memref<!tpu.dma_semaphore, #tpu.memory_space<semaphore_mem>>)
    %add3A_130 = arith.constant 7168 : i32
    %add3A_131 = arith.addi %mul3A_2, %add3A_130 : i32
    %dma_start3A_132 = arith.constant 0 : i32
    %dma_start3A_133 = tpu.memref_slice %arg3[%add3A_131, %dma_start3A_132] : memref<640000x128xf32, #tpu.memory_space<hbm>> -> memref<512x128xf32, #tpu.memory_space<hbm>>
    %dma_start3A_134 = arith.constant 0 : i32
    %dma_start3A_135 = tpu.memref_slice %arg3[%add3A_131, %dma_start3A_134] : memref<640000x128xf32, #tpu.memory_space<hbm>> -> memref<512x128xf32, #tpu.memory_space<hbm>>
    tpu.enqueue_dma source(%arg4 : memref<512x128xf32, #tpu.memory_space<vmem>>) target(%dma_start3A_135 : memref<512x128xf32, #tpu.memory_space<hbm>>) target_semaphore(%arg6 : memref<!tpu.dma_semaphore, #tpu.memory_space<semaphore_mem>>)
    %add3A_136 = arith.constant 7680 : i32
    %add3A_137 = arith.addi %mul3A_2, %add3A_136 : i32
    %dma_start3A_138 = arith.constant 0 : i32
    %dma_start3A_139 = tpu.memref_slice %arg3[%add3A_137, %dma_start3A_138] : memref<640000x128xf32, #tpu.memory_space<hbm>> -> memref<512x128xf32, #tpu.memory_space<hbm>>
    %dma_start3A_140 = arith.constant 0 : i32
    %dma_start3A_141 = tpu.memref_slice %arg3[%add3A_137, %dma_start3A_140] : memref<640000x128xf32, #tpu.memory_space<hbm>> -> memref<512x128xf32, #tpu.memory_space<hbm>>
    tpu.enqueue_dma source(%arg4 : memref<512x128xf32, #tpu.memory_space<vmem>>) target(%dma_start3A_141 : memref<512x128xf32, #tpu.memory_space<hbm>>) target_semaphore(%arg6 : memref<!tpu.dma_semaphore, #tpu.memory_space<semaphore_mem>>)
    %add3A_142 = arith.constant 8192 : i32
    %add3A_143 = arith.addi %mul3A_2, %add3A_142 : i32
    %dma_start3A_144 = arith.constant 0 : i32
    %dma_start3A_145 = tpu.memref_slice %arg3[%add3A_143, %dma_start3A_144] : memref<640000x128xf32, #tpu.memory_space<hbm>> -> memref<512x128xf32, #tpu.memory_space<hbm>>
    %dma_start3A_146 = arith.constant 0 : i32
    %dma_start3A_147 = tpu.memref_slice %arg3[%add3A_143, %dma_start3A_146] : memref<640000x128xf32, #tpu.memory_space<hbm>> -> memref<512x128xf32, #tpu.memory_space<hbm>>
    tpu.enqueue_dma source(%arg4 : memref<512x128xf32, #tpu.memory_space<vmem>>) target(%dma_start3A_147 : memref<512x128xf32, #tpu.memory_space<hbm>>) target_semaphore(%arg6 : memref<!tpu.dma_semaphore, #tpu.memory_space<semaphore_mem>>)
    %add3A_148 = arith.constant 8704 : i32
    %add3A_149 = arith.addi %mul3A_2, %add3A_148 : i32
    %dma_start3A_150 = arith.constant 0 : i32
    %dma_start3A_151 = tpu.memref_slice %arg3[%add3A_149, %dma_start3A_150] : memref<640000x128xf32, #tpu.memory_space<hbm>> -> memref<512x128xf32, #tpu.memory_space<hbm>>
    %dma_start3A_152 = arith.constant 0 : i32
    %dma_start3A_153 = tpu.memref_slice %arg3[%add3A_149, %dma_start3A_152] : memref<640000x128xf32, #tpu.memory_space<hbm>> -> memref<512x128xf32, #tpu.memory_space<hbm>>
    tpu.enqueue_dma source(%arg4 : memref<512x128xf32, #tpu.memory_space<vmem>>) target(%dma_start3A_153 : memref<512x128xf32, #tpu.memory_space<hbm>>) target_semaphore(%arg6 : memref<!tpu.dma_semaphore, #tpu.memory_space<semaphore_mem>>)
    %add3A_154 = arith.constant 9216 : i32
    %add3A_155 = arith.addi %mul3A_2, %add3A_154 : i32
    %dma_start3A_156 = arith.constant 0 : i32
    %dma_start3A_157 = tpu.memref_slice %arg3[%add3A_155, %dma_start3A_156] : memref<640000x128xf32, #tpu.memory_space<hbm>> -> memref<512x128xf32, #tpu.memory_space<hbm>>
    %dma_start3A_158 = arith.constant 0 : i32
    %dma_start3A_159 = tpu.memref_slice %arg3[%add3A_155, %dma_start3A_158] : memref<640000x128xf32, #tpu.memory_space<hbm>> -> memref<512x128xf32, #tpu.memory_space<hbm>>
    tpu.enqueue_dma source(%arg4 : memref<512x128xf32, #tpu.memory_space<vmem>>) target(%dma_start3A_159 : memref<512x128xf32, #tpu.memory_space<hbm>>) target_semaphore(%arg6 : memref<!tpu.dma_semaphore, #tpu.memory_space<semaphore_mem>>)
    %add3A_160 = arith.constant 9728 : i32
    %add3A_161 = arith.addi %mul3A_2, %add3A_160 : i32
    %dma_start3A_162 = arith.constant 0 : i32
    %dma_start3A_163 = tpu.memref_slice %arg3[%add3A_161, %dma_start3A_162] : memref<640000x128xf32, #tpu.memory_space<hbm>> -> memref<512x128xf32, #tpu.memory_space<hbm>>
    %dma_start3A_164 = arith.constant 0 : i32
    %dma_start3A_165 = tpu.memref_slice %arg3[%add3A_161, %dma_start3A_164] : memref<640000x128xf32, #tpu.memory_space<hbm>> -> memref<512x128xf32, #tpu.memory_space<hbm>>
    tpu.enqueue_dma source(%arg4 : memref<512x128xf32, #tpu.memory_space<vmem>>) target(%dma_start3A_165 : memref<512x128xf32, #tpu.memory_space<hbm>>) target_semaphore(%arg6 : memref<!tpu.dma_semaphore, #tpu.memory_space<semaphore_mem>>)
    %add3A_166 = arith.constant 19968 : i32
    %add3A_167 = arith.addi %mul3A_2, %add3A_166 : i32
    %dma_start3A_168 = arith.constant 0 : i32
    %dma_start3A_169 = arith.constant 0 : i32
    %dma_start3A_170 = tpu.memref_slice %arg4[%dma_start3A_168, %dma_start3A_169] : memref<512x128xf32, #tpu.memory_space<vmem>> -> memref<32x128xf32, #tpu.memory_space<vmem>>
    %dma_start3A_171 = arith.constant 0 : i32
    %dma_start3A_172 = tpu.memref_slice %arg3[%add3A_167, %dma_start3A_171] : memref<640000x128xf32, #tpu.memory_space<hbm>> -> memref<32x128xf32, #tpu.memory_space<hbm>>
    %dma_start3A_173 = arith.constant 0 : i32
    %dma_start3A_174 = tpu.memref_slice %arg3[%add3A_167, %dma_start3A_173] : memref<640000x128xf32, #tpu.memory_space<hbm>> -> memref<32x128xf32, #tpu.memory_space<hbm>>
    %dma_start3A_175 = arith.constant 0 : i32
    %dma_start3A_176 = arith.constant 0 : i32
    %dma_start3A_177 = tpu.memref_slice %arg4[%dma_start3A_175, %dma_start3A_176] : memref<512x128xf32, #tpu.memory_space<vmem>> -> memref<32x128xf32, #tpu.memory_space<vmem>>
    tpu.enqueue_dma source(%dma_start3A_177 : memref<32x128xf32, #tpu.memory_space<vmem>>) target(%dma_start3A_174 : memref<32x128xf32, #tpu.memory_space<hbm>>) target_semaphore(%arg6 : memref<!tpu.dma_semaphore, #tpu.memory_space<semaphore_mem>>)
    %eq3A = arith.constant 0 : i32
    %eq3A_178 = arith.cmpi eq, %arg1, %eq3A : i32
    %convert_element_type3A = arith.extui %eq3A_178 : i1 to i32
    %cond3A = arith.constant 0 : i32
    %cond3A_179 = arith.cmpi ne, %convert_element_type3A, %cond3A : i32
    scf.if %cond3A_179 {
      "tpu.region"() ({
        %run_scoped3A = tpu.sem_alloc : memref<!tpu.dma_semaphore, #tpu.memory_space<semaphore_mem>>
        tpu.enqueue_dma source(%arg4 : memref<512x128xf32, #tpu.memory_space<vmem>>) target(%arg5 : memref<512x128xf32, #tpu.memory_space<vmem_shared>>) target_semaphore(%run_scoped3A : memref<!tpu.dma_semaphore, #tpu.memory_space<semaphore_mem>>)
        tpu.wait_dma2 semaphore(%run_scoped3A : memref<!tpu.dma_semaphore, #tpu.memory_space<semaphore_mem>>) src(%arg4 : memref<512x128xf32, #tpu.memory_space<vmem>>) dst(%arg5 : memref<512x128xf32, #tpu.memory_space<vmem_shared>>)
        tpu.yield
      }) : () -> ()
    } else {
    }
    %barrier3A = arith.constant 0 : index
    tpu.barrier barrier_id(%barrier3A)
    %add3A_180 = arith.constant 10240 : i32
    %add3A_181 = arith.addi %mul3A_2, %add3A_180 : i32
    %dma_start3A_182 = arith.constant 0 : i32
    %dma_start3A_183 = tpu.memref_slice %arg3[%add3A_181, %dma_start3A_182] : memref<640000x128xf32, #tpu.memory_space<hbm>> -> memref<512x128xf32, #tpu.memory_space<hbm>>
    tpu.enqueue_dma source(%arg5 : memref<512x128xf32, #tpu.memory_space<vmem_shared>>) target(%dma_start3A_183 : memref<512x128xf32, #tpu.memory_space<hbm>>) target_semaphore(%arg6 : memref<!tpu.dma_semaphore, #tpu.memory_space<semaphore_mem>>)
    %add3A_184 = arith.constant 10752 : i32
    %add3A_185 = arith.addi %mul3A_2, %add3A_184 : i32
    %dma_start3A_186 = arith.constant 0 : i32
    %dma_start3A_187 = tpu.memref_slice %arg3[%add3A_185, %dma_start3A_186] : memref<640000x128xf32, #tpu.memory_space<hbm>> -> memref<512x128xf32, #tpu.memory_space<hbm>>
    tpu.enqueue_dma source(%arg5 : memref<512x128xf32, #tpu.memory_space<vmem_shared>>) target(%dma_start3A_187 : memref<512x128xf32, #tpu.memory_space<hbm>>) target_semaphore(%arg6 : memref<!tpu.dma_semaphore, #tpu.memory_space<semaphore_mem>>)
    %add3A_188 = arith.constant 11264 : i32
    %add3A_189 = arith.addi %mul3A_2, %add3A_188 : i32
    %dma_start3A_190 = arith.constant 0 : i32
    %dma_start3A_191 = tpu.memref_slice %arg3[%add3A_189, %dma_start3A_190] : memref<640000x128xf32, #tpu.memory_space<hbm>> -> memref<512x128xf32, #tpu.memory_space<hbm>>
    tpu.enqueue_dma source(%arg5 : memref<512x128xf32, #tpu.memory_space<vmem_shared>>) target(%dma_start3A_191 : memref<512x128xf32, #tpu.memory_space<hbm>>) target_semaphore(%arg6 : memref<!tpu.dma_semaphore, #tpu.memory_space<semaphore_mem>>)
    %add3A_192 = arith.constant 11776 : i32
    %add3A_193 = arith.addi %mul3A_2, %add3A_192 : i32
    %dma_start3A_194 = arith.constant 0 : i32
    %dma_start3A_195 = tpu.memref_slice %arg3[%add3A_193, %dma_start3A_194] : memref<640000x128xf32, #tpu.memory_space<hbm>> -> memref<512x128xf32, #tpu.memory_space<hbm>>
    tpu.enqueue_dma source(%arg5 : memref<512x128xf32, #tpu.memory_space<vmem_shared>>) target(%dma_start3A_195 : memref<512x128xf32, #tpu.memory_space<hbm>>) target_semaphore(%arg6 : memref<!tpu.dma_semaphore, #tpu.memory_space<semaphore_mem>>)
    %add3A_196 = arith.constant 12288 : i32
    %add3A_197 = arith.addi %mul3A_2, %add3A_196 : i32
    %dma_start3A_198 = arith.constant 0 : i32
    %dma_start3A_199 = tpu.memref_slice %arg3[%add3A_197, %dma_start3A_198] : memref<640000x128xf32, #tpu.memory_space<hbm>> -> memref<512x128xf32, #tpu.memory_space<hbm>>
    tpu.enqueue_dma source(%arg5 : memref<512x128xf32, #tpu.memory_space<vmem_shared>>) target(%dma_start3A_199 : memref<512x128xf32, #tpu.memory_space<hbm>>) target_semaphore(%arg6 : memref<!tpu.dma_semaphore, #tpu.memory_space<semaphore_mem>>)
    %add3A_200 = arith.constant 12800 : i32
    %add3A_201 = arith.addi %mul3A_2, %add3A_200 : i32
    %dma_start3A_202 = arith.constant 0 : i32
    %dma_start3A_203 = tpu.memref_slice %arg3[%add3A_201, %dma_start3A_202] : memref<640000x128xf32, #tpu.memory_space<hbm>> -> memref<512x128xf32, #tpu.memory_space<hbm>>
    tpu.enqueue_dma source(%arg5 : memref<512x128xf32, #tpu.memory_space<vmem_shared>>) target(%dma_start3A_203 : memref<512x128xf32, #tpu.memory_space<hbm>>) target_semaphore(%arg6 : memref<!tpu.dma_semaphore, #tpu.memory_space<semaphore_mem>>)
    %add3A_204 = arith.constant 13312 : i32
    %add3A_205 = arith.addi %mul3A_2, %add3A_204 : i32
    %dma_start3A_206 = arith.constant 0 : i32
    %dma_start3A_207 = tpu.memref_slice %arg3[%add3A_205, %dma_start3A_206] : memref<640000x128xf32, #tpu.memory_space<hbm>> -> memref<512x128xf32, #tpu.memory_space<hbm>>
    tpu.enqueue_dma source(%arg5 : memref<512x128xf32, #tpu.memory_space<vmem_shared>>) target(%dma_start3A_207 : memref<512x128xf32, #tpu.memory_space<hbm>>) target_semaphore(%arg6 : memref<!tpu.dma_semaphore, #tpu.memory_space<semaphore_mem>>)
    %add3A_208 = arith.constant 13824 : i32
    %add3A_209 = arith.addi %mul3A_2, %add3A_208 : i32
    %dma_start3A_210 = arith.constant 0 : i32
    %dma_start3A_211 = tpu.memref_slice %arg3[%add3A_209, %dma_start3A_210] : memref<640000x128xf32, #tpu.memory_space<hbm>> -> memref<512x128xf32, #tpu.memory_space<hbm>>
    tpu.enqueue_dma source(%arg5 : memref<512x128xf32, #tpu.memory_space<vmem_shared>>) target(%dma_start3A_211 : memref<512x128xf32, #tpu.memory_space<hbm>>) target_semaphore(%arg6 : memref<!tpu.dma_semaphore, #tpu.memory_space<semaphore_mem>>)
    %add3A_212 = arith.constant 14336 : i32
    %add3A_213 = arith.addi %mul3A_2, %add3A_212 : i32
    %dma_start3A_214 = arith.constant 0 : i32
    %dma_start3A_215 = tpu.memref_slice %arg3[%add3A_213, %dma_start3A_214] : memref<640000x128xf32, #tpu.memory_space<hbm>> -> memref<512x128xf32, #tpu.memory_space<hbm>>
    tpu.enqueue_dma source(%arg5 : memref<512x128xf32, #tpu.memory_space<vmem_shared>>) target(%dma_start3A_215 : memref<512x128xf32, #tpu.memory_space<hbm>>) target_semaphore(%arg6 : memref<!tpu.dma_semaphore, #tpu.memory_space<semaphore_mem>>)
    %add3A_216 = arith.constant 14848 : i32
    %add3A_217 = arith.addi %mul3A_2, %add3A_216 : i32
    %dma_start3A_218 = arith.constant 0 : i32
    %dma_start3A_219 = tpu.memref_slice %arg3[%add3A_217, %dma_start3A_218] : memref<640000x128xf32, #tpu.memory_space<hbm>> -> memref<512x128xf32, #tpu.memory_space<hbm>>
    tpu.enqueue_dma source(%arg5 : memref<512x128xf32, #tpu.memory_space<vmem_shared>>) target(%dma_start3A_219 : memref<512x128xf32, #tpu.memory_space<hbm>>) target_semaphore(%arg6 : memref<!tpu.dma_semaphore, #tpu.memory_space<semaphore_mem>>)
    %add3A_220 = arith.constant 15360 : i32
    %add3A_221 = arith.addi %mul3A_2, %add3A_220 : i32
    %dma_start3A_222 = arith.constant 0 : i32
    %dma_start3A_223 = tpu.memref_slice %arg3[%add3A_221, %dma_start3A_222] : memref<640000x128xf32, #tpu.memory_space<hbm>> -> memref<512x128xf32, #tpu.memory_space<hbm>>
    tpu.enqueue_dma source(%arg5 : memref<512x128xf32, #tpu.memory_space<vmem_shared>>) target(%dma_start3A_223 : memref<512x128xf32, #tpu.memory_space<hbm>>) target_semaphore(%arg6 : memref<!tpu.dma_semaphore, #tpu.memory_space<semaphore_mem>>)
    %add3A_224 = arith.constant 15872 : i32
    %add3A_225 = arith.addi %mul3A_2, %add3A_224 : i32
    %dma_start3A_226 = arith.constant 0 : i32
    %dma_start3A_227 = tpu.memref_slice %arg3[%add3A_225, %dma_start3A_226] : memref<640000x128xf32, #tpu.memory_space<hbm>> -> memref<512x128xf32, #tpu.memory_space<hbm>>
    tpu.enqueue_dma source(%arg5 : memref<512x128xf32, #tpu.memory_space<vmem_shared>>) target(%dma_start3A_227 : memref<512x128xf32, #tpu.memory_space<hbm>>) target_semaphore(%arg6 : memref<!tpu.dma_semaphore, #tpu.memory_space<semaphore_mem>>)
    %add3A_228 = arith.constant 16384 : i32
    %add3A_229 = arith.addi %mul3A_2, %add3A_228 : i32
    %dma_start3A_230 = arith.constant 0 : i32
    %dma_start3A_231 = tpu.memref_slice %arg3[%add3A_229, %dma_start3A_230] : memref<640000x128xf32, #tpu.memory_space<hbm>> -> memref<512x128xf32, #tpu.memory_space<hbm>>
    tpu.enqueue_dma source(%arg5 : memref<512x128xf32, #tpu.memory_space<vmem_shared>>) target(%dma_start3A_231 : memref<512x128xf32, #tpu.memory_space<hbm>>) target_semaphore(%arg6 : memref<!tpu.dma_semaphore, #tpu.memory_space<semaphore_mem>>)
    %add3A_232 = arith.constant 16896 : i32
    %add3A_233 = arith.addi %mul3A_2, %add3A_232 : i32
    %dma_start3A_234 = arith.constant 0 : i32
    %dma_start3A_235 = tpu.memref_slice %arg3[%add3A_233, %dma_start3A_234] : memref<640000x128xf32, #tpu.memory_space<hbm>> -> memref<512x128xf32, #tpu.memory_space<hbm>>
    tpu.enqueue_dma source(%arg5 : memref<512x128xf32, #tpu.memory_space<vmem_shared>>) target(%dma_start3A_235 : memref<512x128xf32, #tpu.memory_space<hbm>>) target_semaphore(%arg6 : memref<!tpu.dma_semaphore, #tpu.memory_space<semaphore_mem>>)
    %add3A_236 = arith.constant 17408 : i32
    %add3A_237 = arith.addi %mul3A_2, %add3A_236 : i32
    %dma_start3A_238 = arith.constant 0 : i32
    %dma_start3A_239 = tpu.memref_slice %arg3[%add3A_237, %dma_start3A_238] : memref<640000x128xf32, #tpu.memory_space<hbm>> -> memref<512x128xf32, #tpu.memory_space<hbm>>
    tpu.enqueue_dma source(%arg5 : memref<512x128xf32, #tpu.memory_space<vmem_shared>>) target(%dma_start3A_239 : memref<512x128xf32, #tpu.memory_space<hbm>>) target_semaphore(%arg6 : memref<!tpu.dma_semaphore, #tpu.memory_space<semaphore_mem>>)
    %add3A_240 = arith.constant 17920 : i32
    %add3A_241 = arith.addi %mul3A_2, %add3A_240 : i32
    %dma_start3A_242 = arith.constant 0 : i32
    %dma_start3A_243 = tpu.memref_slice %arg3[%add3A_241, %dma_start3A_242] : memref<640000x128xf32, #tpu.memory_space<hbm>> -> memref<512x128xf32, #tpu.memory_space<hbm>>
    tpu.enqueue_dma source(%arg5 : memref<512x128xf32, #tpu.memory_space<vmem_shared>>) target(%dma_start3A_243 : memref<512x128xf32, #tpu.memory_space<hbm>>) target_semaphore(%arg6 : memref<!tpu.dma_semaphore, #tpu.memory_space<semaphore_mem>>)
    %add3A_244 = arith.constant 18432 : i32
    %add3A_245 = arith.addi %mul3A_2, %add3A_244 : i32
    %dma_start3A_246 = arith.constant 0 : i32
    %dma_start3A_247 = tpu.memref_slice %arg3[%add3A_245, %dma_start3A_246] : memref<640000x128xf32, #tpu.memory_space<hbm>> -> memref<512x128xf32, #tpu.memory_space<hbm>>
    tpu.enqueue_dma source(%arg5 : memref<512x128xf32, #tpu.memory_space<vmem_shared>>) target(%dma_start3A_247 : memref<512x128xf32, #tpu.memory_space<hbm>>) target_semaphore(%arg6 : memref<!tpu.dma_semaphore, #tpu.memory_space<semaphore_mem>>)
    %add3A_248 = arith.constant 18944 : i32
    %add3A_249 = arith.addi %mul3A_2, %add3A_248 : i32
    %dma_start3A_250 = arith.constant 0 : i32
    %dma_start3A_251 = tpu.memref_slice %arg3[%add3A_249, %dma_start3A_250] : memref<640000x128xf32, #tpu.memory_space<hbm>> -> memref<512x128xf32, #tpu.memory_space<hbm>>
    tpu.enqueue_dma source(%arg5 : memref<512x128xf32, #tpu.memory_space<vmem_shared>>) target(%dma_start3A_251 : memref<512x128xf32, #tpu.memory_space<hbm>>) target_semaphore(%arg6 : memref<!tpu.dma_semaphore, #tpu.memory_space<semaphore_mem>>)
    %add3A_252 = arith.constant 19456 : i32
    %add3A_253 = arith.addi %mul3A_2, %add3A_252 : i32
    %dma_start3A_254 = arith.constant 0 : i32
    %dma_start3A_255 = tpu.memref_slice %arg3[%add3A_253, %dma_start3A_254] : memref<640000x128xf32, #tpu.memory_space<hbm>> -> memref<512x128xf32, #tpu.memory_space<hbm>>
    tpu.enqueue_dma source(%arg5 : memref<512x128xf32, #tpu.memory_space<vmem_shared>>) target(%dma_start3A_255 : memref<512x128xf32, #tpu.memory_space<hbm>>) target_semaphore(%arg6 : memref<!tpu.dma_semaphore, #tpu.memory_space<semaphore_mem>>)
    %dma_wait3A = arith.constant 0 : i32
    %dma_wait3A_256 = tpu.memref_slice %arg3[%add3A_48, %dma_wait3A] : memref<640000x128xf32, #tpu.memory_space<hbm>> -> memref<512x128xf32, #tpu.memory_space<hbm>>
    %dma_wait3A_257 = arith.constant 0 : i32
    %dma_wait3A_258 = tpu.memref_slice %arg3[%add3A_48, %dma_wait3A_257] : memref<640000x128xf32, #tpu.memory_space<hbm>> -> memref<512x128xf32, #tpu.memory_space<hbm>>
    tpu.wait_dma2 semaphore(%arg6 : memref<!tpu.dma_semaphore, #tpu.memory_space<semaphore_mem>>) src(%arg4 : memref<512x128xf32, #tpu.memory_space<vmem>>) dst(%dma_wait3A_258 : memref<512x128xf32, #tpu.memory_space<hbm>>)
    %dma_wait3A_259 = arith.constant 0 : i32
    %dma_wait3A_260 = tpu.memref_slice %arg3[%add3A_53, %dma_wait3A_259] : memref<640000x128xf32, #tpu.memory_space<hbm>> -> memref<512x128xf32, #tpu.memory_space<hbm>>
    %dma_wait3A_261 = arith.constant 0 : i32
    %dma_wait3A_262 = tpu.memref_slice %arg3[%add3A_53, %dma_wait3A_261] : memref<640000x128xf32, #tpu.memory_space<hbm>> -> memref<512x128xf32, #tpu.memory_space<hbm>>
    tpu.wait_dma2 semaphore(%arg6 : memref<!tpu.dma_semaphore, #tpu.memory_space<semaphore_mem>>) src(%arg4 : memref<512x128xf32, #tpu.memory_space<vmem>>) dst(%dma_wait3A_262 : memref<512x128xf32, #tpu.memory_space<hbm>>)
    %dma_wait3A_263 = arith.constant 0 : i32
    %dma_wait3A_264 = tpu.memref_slice %arg3[%add3A_59, %dma_wait3A_263] : memref<640000x128xf32, #tpu.memory_space<hbm>> -> memref<512x128xf32, #tpu.memory_space<hbm>>
    %dma_wait3A_265 = arith.constant 0 : i32
    %dma_wait3A_266 = tpu.memref_slice %arg3[%add3A_59, %dma_wait3A_265] : memref<640000x128xf32, #tpu.memory_space<hbm>> -> memref<512x128xf32, #tpu.memory_space<hbm>>
    tpu.wait_dma2 semaphore(%arg6 : memref<!tpu.dma_semaphore, #tpu.memory_space<semaphore_mem>>) src(%arg4 : memref<512x128xf32, #tpu.memory_space<vmem>>) dst(%dma_wait3A_266 : memref<512x128xf32, #tpu.memory_space<hbm>>)
    %dma_wait3A_267 = arith.constant 0 : i32
    %dma_wait3A_268 = tpu.memref_slice %arg3[%add3A_65, %dma_wait3A_267] : memref<640000x128xf32, #tpu.memory_space<hbm>> -> memref<512x128xf32, #tpu.memory_space<hbm>>
    %dma_wait3A_269 = arith.constant 0 : i32
    %dma_wait3A_270 = tpu.memref_slice %arg3[%add3A_65, %dma_wait3A_269] : memref<640000x128xf32, #tpu.memory_space<hbm>> -> memref<512x128xf32, #tpu.memory_space<hbm>>
    tpu.wait_dma2 semaphore(%arg6 : memref<!tpu.dma_semaphore, #tpu.memory_space<semaphore_mem>>) src(%arg4 : memref<512x128xf32, #tpu.memory_space<vmem>>) dst(%dma_wait3A_270 : memref<512x128xf32, #tpu.memory_space<hbm>>)
    %dma_wait3A_271 = arith.constant 0 : i32
    %dma_wait3A_272 = tpu.memref_slice %arg3[%add3A_71, %dma_wait3A_271] : memref<640000x128xf32, #tpu.memory_space<hbm>> -> memref<512x128xf32, #tpu.memory_space<hbm>>
    %dma_wait3A_273 = arith.constant 0 : i32
    %dma_wait3A_274 = tpu.memref_slice %arg3[%add3A_71, %dma_wait3A_273] : memref<640000x128xf32, #tpu.memory_space<hbm>> -> memref<512x128xf32, #tpu.memory_space<hbm>>
    tpu.wait_dma2 semaphore(%arg6 : memref<!tpu.dma_semaphore, #tpu.memory_space<semaphore_mem>>) src(%arg4 : memref<512x128xf32, #tpu.memory_space<vmem>>) dst(%dma_wait3A_274 : memref<512x128xf32, #tpu.memory_space<hbm>>)
    %dma_wait3A_275 = arith.constant 0 : i32
    %dma_wait3A_276 = tpu.memref_slice %arg3[%add3A_77, %dma_wait3A_275] : memref<640000x128xf32, #tpu.memory_space<hbm>> -> memref<512x128xf32, #tpu.memory_space<hbm>>
    %dma_wait3A_277 = arith.constant 0 : i32
    %dma_wait3A_278 = tpu.memref_slice %arg3[%add3A_77, %dma_wait3A_277] : memref<640000x128xf32, #tpu.memory_space<hbm>> -> memref<512x128xf32, #tpu.memory_space<hbm>>
    tpu.wait_dma2 semaphore(%arg6 : memref<!tpu.dma_semaphore, #tpu.memory_space<semaphore_mem>>) src(%arg4 : memref<512x128xf32, #tpu.memory_space<vmem>>) dst(%dma_wait3A_278 : memref<512x128xf32, #tpu.memory_space<hbm>>)
    %dma_wait3A_279 = arith.constant 0 : i32
    %dma_wait3A_280 = tpu.memref_slice %arg3[%add3A_83, %dma_wait3A_279] : memref<640000x128xf32, #tpu.memory_space<hbm>> -> memref<512x128xf32, #tpu.memory_space<hbm>>
    %dma_wait3A_281 = arith.constant 0 : i32
    %dma_wait3A_282 = tpu.memref_slice %arg3[%add3A_83, %dma_wait3A_281] : memref<640000x128xf32, #tpu.memory_space<hbm>> -> memref<512x128xf32, #tpu.memory_space<hbm>>
    tpu.wait_dma2 semaphore(%arg6 : memref<!tpu.dma_semaphore, #tpu.memory_space<semaphore_mem>>) src(%arg4 : memref<512x128xf32, #tpu.memory_space<vmem>>) dst(%dma_wait3A_282 : memref<512x128xf32, #tpu.memory_space<hbm>>)
    %dma_wait3A_283 = arith.constant 0 : i32
    %dma_wait3A_284 = tpu.memref_slice %arg3[%add3A_89, %dma_wait3A_283] : memref<640000x128xf32, #tpu.memory_space<hbm>> -> memref<512x128xf32, #tpu.memory_space<hbm>>
    %dma_wait3A_285 = arith.constant 0 : i32
    %dma_wait3A_286 = tpu.memref_slice %arg3[%add3A_89, %dma_wait3A_285] : memref<640000x128xf32, #tpu.memory_space<hbm>> -> memref<512x128xf32, #tpu.memory_space<hbm>>
    tpu.wait_dma2 semaphore(%arg6 : memref<!tpu.dma_semaphore, #tpu.memory_space<semaphore_mem>>) src(%arg4 : memref<512x128xf32, #tpu.memory_space<vmem>>) dst(%dma_wait3A_286 : memref<512x128xf32, #tpu.memory_space<hbm>>)
    %dma_wait3A_287 = arith.constant 0 : i32
    %dma_wait3A_288 = tpu.memref_slice %arg3[%add3A_95, %dma_wait3A_287] : memref<640000x128xf32, #tpu.memory_space<hbm>> -> memref<512x128xf32, #tpu.memory_space<hbm>>
    %dma_wait3A_289 = arith.constant 0 : i32
    %dma_wait3A_290 = tpu.memref_slice %arg3[%add3A_95, %dma_wait3A_289] : memref<640000x128xf32, #tpu.memory_space<hbm>> -> memref<512x128xf32, #tpu.memory_space<hbm>>
    tpu.wait_dma2 semaphore(%arg6 : memref<!tpu.dma_semaphore, #tpu.memory_space<semaphore_mem>>) src(%arg4 : memref<512x128xf32, #tpu.memory_space<vmem>>) dst(%dma_wait3A_290 : memref<512x128xf32, #tpu.memory_space<hbm>>)
    %dma_wait3A_291 = arith.constant 0 : i32
    %dma_wait3A_292 = tpu.memref_slice %arg3[%add3A_101, %dma_wait3A_291] : memref<640000x128xf32, #tpu.memory_space<hbm>> -> memref<512x128xf32, #tpu.memory_space<hbm>>
    %dma_wait3A_293 = arith.constant 0 : i32
    %dma_wait3A_294 = tpu.memref_slice %arg3[%add3A_101, %dma_wait3A_293] : memref<640000x128xf32, #tpu.memory_space<hbm>> -> memref<512x128xf32, #tpu.memory_space<hbm>>
    tpu.wait_dma2 semaphore(%arg6 : memref<!tpu.dma_semaphore, #tpu.memory_space<semaphore_mem>>) src(%arg4 : memref<512x128xf32, #tpu.memory_space<vmem>>) dst(%dma_wait3A_294 : memref<512x128xf32, #tpu.memory_space<hbm>>)
    %dma_wait3A_295 = arith.constant 0 : i32
    %dma_wait3A_296 = tpu.memref_slice %arg3[%add3A_107, %dma_wait3A_295] : memref<640000x128xf32, #tpu.memory_space<hbm>> -> memref<512x128xf32, #tpu.memory_space<hbm>>
    %dma_wait3A_297 = arith.constant 0 : i32
    %dma_wait3A_298 = tpu.memref_slice %arg3[%add3A_107, %dma_wait3A_297] : memref<640000x128xf32, #tpu.memory_space<hbm>> -> memref<512x128xf32, #tpu.memory_space<hbm>>
    tpu.wait_dma2 semaphore(%arg6 : memref<!tpu.dma_semaphore, #tpu.memory_space<semaphore_mem>>) src(%arg4 : memref<512x128xf32, #tpu.memory_space<vmem>>) dst(%dma_wait3A_298 : memref<512x128xf32, #tpu.memory_space<hbm>>)
    %dma_wait3A_299 = arith.constant 0 : i32
    %dma_wait3A_300 = tpu.memref_slice %arg3[%add3A_113, %dma_wait3A_299] : memref<640000x128xf32, #tpu.memory_space<hbm>> -> memref<512x128xf32, #tpu.memory_space<hbm>>
    %dma_wait3A_301 = arith.constant 0 : i32
    %dma_wait3A_302 = tpu.memref_slice %arg3[%add3A_113, %dma_wait3A_301] : memref<640000x128xf32, #tpu.memory_space<hbm>> -> memref<512x128xf32, #tpu.memory_space<hbm>>
    tpu.wait_dma2 semaphore(%arg6 : memref<!tpu.dma_semaphore, #tpu.memory_space<semaphore_mem>>) src(%arg4 : memref<512x128xf32, #tpu.memory_space<vmem>>) dst(%dma_wait3A_302 : memref<512x128xf32, #tpu.memory_space<hbm>>)
    %dma_wait3A_303 = arith.constant 0 : i32
    %dma_wait3A_304 = tpu.memref_slice %arg3[%add3A_119, %dma_wait3A_303] : memref<640000x128xf32, #tpu.memory_space<hbm>> -> memref<512x128xf32, #tpu.memory_space<hbm>>
    %dma_wait3A_305 = arith.constant 0 : i32
    %dma_wait3A_306 = tpu.memref_slice %arg3[%add3A_119, %dma_wait3A_305] : memref<640000x128xf32, #tpu.memory_space<hbm>> -> memref<512x128xf32, #tpu.memory_space<hbm>>
    tpu.wait_dma2 semaphore(%arg6 : memref<!tpu.dma_semaphore, #tpu.memory_space<semaphore_mem>>) src(%arg4 : memref<512x128xf32, #tpu.memory_space<vmem>>) dst(%dma_wait3A_306 : memref<512x128xf32, #tpu.memory_space<hbm>>)
    %dma_wait3A_307 = arith.constant 0 : i32
    %dma_wait3A_308 = tpu.memref_slice %arg3[%add3A_125, %dma_wait3A_307] : memref<640000x128xf32, #tpu.memory_space<hbm>> -> memref<512x128xf32, #tpu.memory_space<hbm>>
    %dma_wait3A_309 = arith.constant 0 : i32
    %dma_wait3A_310 = tpu.memref_slice %arg3[%add3A_125, %dma_wait3A_309] : memref<640000x128xf32, #tpu.memory_space<hbm>> -> memref<512x128xf32, #tpu.memory_space<hbm>>
    tpu.wait_dma2 semaphore(%arg6 : memref<!tpu.dma_semaphore, #tpu.memory_space<semaphore_mem>>) src(%arg4 : memref<512x128xf32, #tpu.memory_space<vmem>>) dst(%dma_wait3A_310 : memref<512x128xf32, #tpu.memory_space<hbm>>)
    %dma_wait3A_311 = arith.constant 0 : i32
    %dma_wait3A_312 = tpu.memref_slice %arg3[%add3A_131, %dma_wait3A_311] : memref<640000x128xf32, #tpu.memory_space<hbm>> -> memref<512x128xf32, #tpu.memory_space<hbm>>
    %dma_wait3A_313 = arith.constant 0 : i32
    %dma_wait3A_314 = tpu.memref_slice %arg3[%add3A_131, %dma_wait3A_313] : memref<640000x128xf32, #tpu.memory_space<hbm>> -> memref<512x128xf32, #tpu.memory_space<hbm>>
    tpu.wait_dma2 semaphore(%arg6 : memref<!tpu.dma_semaphore, #tpu.memory_space<semaphore_mem>>) src(%arg4 : memref<512x128xf32, #tpu.memory_space<vmem>>) dst(%dma_wait3A_314 : memref<512x128xf32, #tpu.memory_space<hbm>>)
    %dma_wait3A_315 = arith.constant 0 : i32
    %dma_wait3A_316 = tpu.memref_slice %arg3[%add3A_137, %dma_wait3A_315] : memref<640000x128xf32, #tpu.memory_space<hbm>> -> memref<512x128xf32, #tpu.memory_space<hbm>>
    %dma_wait3A_317 = arith.constant 0 : i32
    %dma_wait3A_318 = tpu.memref_slice %arg3[%add3A_137, %dma_wait3A_317] : memref<640000x128xf32, #tpu.memory_space<hbm>> -> memref<512x128xf32, #tpu.memory_space<hbm>>
    tpu.wait_dma2 semaphore(%arg6 : memref<!tpu.dma_semaphore, #tpu.memory_space<semaphore_mem>>) src(%arg4 : memref<512x128xf32, #tpu.memory_space<vmem>>) dst(%dma_wait3A_318 : memref<512x128xf32, #tpu.memory_space<hbm>>)
    %dma_wait3A_319 = arith.constant 0 : i32
    %dma_wait3A_320 = tpu.memref_slice %arg3[%add3A_143, %dma_wait3A_319] : memref<640000x128xf32, #tpu.memory_space<hbm>> -> memref<512x128xf32, #tpu.memory_space<hbm>>
    %dma_wait3A_321 = arith.constant 0 : i32
    %dma_wait3A_322 = tpu.memref_slice %arg3[%add3A_143, %dma_wait3A_321] : memref<640000x128xf32, #tpu.memory_space<hbm>> -> memref<512x128xf32, #tpu.memory_space<hbm>>
    tpu.wait_dma2 semaphore(%arg6 : memref<!tpu.dma_semaphore, #tpu.memory_space<semaphore_mem>>) src(%arg4 : memref<512x128xf32, #tpu.memory_space<vmem>>) dst(%dma_wait3A_322 : memref<512x128xf32, #tpu.memory_space<hbm>>)
    %dma_wait3A_323 = arith.constant 0 : i32
    %dma_wait3A_324 = tpu.memref_slice %arg3[%add3A_149, %dma_wait3A_323] : memref<640000x128xf32, #tpu.memory_space<hbm>> -> memref<512x128xf32, #tpu.memory_space<hbm>>
    %dma_wait3A_325 = arith.constant 0 : i32
    %dma_wait3A_326 = tpu.memref_slice %arg3[%add3A_149, %dma_wait3A_325] : memref<640000x128xf32, #tpu.memory_space<hbm>> -> memref<512x128xf32, #tpu.memory_space<hbm>>
    tpu.wait_dma2 semaphore(%arg6 : memref<!tpu.dma_semaphore, #tpu.memory_space<semaphore_mem>>) src(%arg4 : memref<512x128xf32, #tpu.memory_space<vmem>>) dst(%dma_wait3A_326 : memref<512x128xf32, #tpu.memory_space<hbm>>)
    %dma_wait3A_327 = arith.constant 0 : i32
    %dma_wait3A_328 = tpu.memref_slice %arg3[%add3A_155, %dma_wait3A_327] : memref<640000x128xf32, #tpu.memory_space<hbm>> -> memref<512x128xf32, #tpu.memory_space<hbm>>
    %dma_wait3A_329 = arith.constant 0 : i32
    %dma_wait3A_330 = tpu.memref_slice %arg3[%add3A_155, %dma_wait3A_329] : memref<640000x128xf32, #tpu.memory_space<hbm>> -> memref<512x128xf32, #tpu.memory_space<hbm>>
    tpu.wait_dma2 semaphore(%arg6 : memref<!tpu.dma_semaphore, #tpu.memory_space<semaphore_mem>>) src(%arg4 : memref<512x128xf32, #tpu.memory_space<vmem>>) dst(%dma_wait3A_330 : memref<512x128xf32, #tpu.memory_space<hbm>>)
    %dma_wait3A_331 = arith.constant 0 : i32
    %dma_wait3A_332 = tpu.memref_slice %arg3[%add3A_161, %dma_wait3A_331] : memref<640000x128xf32, #tpu.memory_space<hbm>> -> memref<512x128xf32, #tpu.memory_space<hbm>>
    %dma_wait3A_333 = arith.constant 0 : i32
    %dma_wait3A_334 = tpu.memref_slice %arg3[%add3A_161, %dma_wait3A_333] : memref<640000x128xf32, #tpu.memory_space<hbm>> -> memref<512x128xf32, #tpu.memory_space<hbm>>
    tpu.wait_dma2 semaphore(%arg6 : memref<!tpu.dma_semaphore, #tpu.memory_space<semaphore_mem>>) src(%arg4 : memref<512x128xf32, #tpu.memory_space<vmem>>) dst(%dma_wait3A_334 : memref<512x128xf32, #tpu.memory_space<hbm>>)
    %dma_wait3A_335 = arith.constant 0 : i32
    %dma_wait3A_336 = arith.constant 0 : i32
    %dma_wait3A_337 = tpu.memref_slice %arg4[%dma_wait3A_335, %dma_wait3A_336] : memref<512x128xf32, #tpu.memory_space<vmem>> -> memref<32x128xf32, #tpu.memory_space<vmem>>
    %dma_wait3A_338 = arith.constant 0 : i32
    %dma_wait3A_339 = tpu.memref_slice %arg3[%add3A_167, %dma_wait3A_338] : memref<640000x128xf32, #tpu.memory_space<hbm>> -> memref<32x128xf32, #tpu.memory_space<hbm>>
    %dma_wait3A_340 = arith.constant 0 : i32
    %dma_wait3A_341 = tpu.memref_slice %arg3[%add3A_167, %dma_wait3A_340] : memref<640000x128xf32, #tpu.memory_space<hbm>> -> memref<32x128xf32, #tpu.memory_space<hbm>>
    %dma_wait3A_342 = arith.constant 0 : i32
    %dma_wait3A_343 = arith.constant 0 : i32
    %dma_wait3A_344 = tpu.memref_slice %arg4[%dma_wait3A_342, %dma_wait3A_343] : memref<512x128xf32, #tpu.memory_space<vmem>> -> memref<32x128xf32, #tpu.memory_space<vmem>>
    tpu.wait_dma2 semaphore(%arg6 : memref<!tpu.dma_semaphore, #tpu.memory_space<semaphore_mem>>) src(%dma_wait3A_344 : memref<32x128xf32, #tpu.memory_space<vmem>>) dst(%dma_wait3A_341 : memref<32x128xf32, #tpu.memory_space<hbm>>)
    %dma_wait3A_345 = arith.constant 0 : i32
    %dma_wait3A_346 = tpu.memref_slice %arg3[%add3A_181, %dma_wait3A_345] : memref<640000x128xf32, #tpu.memory_space<hbm>> -> memref<512x128xf32, #tpu.memory_space<hbm>>
    tpu.wait_dma2 semaphore(%arg6 : memref<!tpu.dma_semaphore, #tpu.memory_space<semaphore_mem>>) src(%arg5 : memref<512x128xf32, #tpu.memory_space<vmem_shared>>) dst(%dma_wait3A_346 : memref<512x128xf32, #tpu.memory_space<hbm>>)
    %dma_wait3A_347 = arith.constant 0 : i32
    %dma_wait3A_348 = tpu.memref_slice %arg3[%add3A_185, %dma_wait3A_347] : memref<640000x128xf32, #tpu.memory_space<hbm>> -> memref<512x128xf32, #tpu.memory_space<hbm>>
    tpu.wait_dma2 semaphore(%arg6 : memref<!tpu.dma_semaphore, #tpu.memory_space<semaphore_mem>>) src(%arg5 : memref<512x128xf32, #tpu.memory_space<vmem_shared>>) dst(%dma_wait3A_348 : memref<512x128xf32, #tpu.memory_space<hbm>>)
    %dma_wait3A_349 = arith.constant 0 : i32
    %dma_wait3A_350 = tpu.memref_slice %arg3[%add3A_189, %dma_wait3A_349] : memref<640000x128xf32, #tpu.memory_space<hbm>> -> memref<512x128xf32, #tpu.memory_space<hbm>>
    tpu.wait_dma2 semaphore(%arg6 : memref<!tpu.dma_semaphore, #tpu.memory_space<semaphore_mem>>) src(%arg5 : memref<512x128xf32, #tpu.memory_space<vmem_shared>>) dst(%dma_wait3A_350 : memref<512x128xf32, #tpu.memory_space<hbm>>)
    %dma_wait3A_351 = arith.constant 0 : i32
    %dma_wait3A_352 = tpu.memref_slice %arg3[%add3A_193, %dma_wait3A_351] : memref<640000x128xf32, #tpu.memory_space<hbm>> -> memref<512x128xf32, #tpu.memory_space<hbm>>
    tpu.wait_dma2 semaphore(%arg6 : memref<!tpu.dma_semaphore, #tpu.memory_space<semaphore_mem>>) src(%arg5 : memref<512x128xf32, #tpu.memory_space<vmem_shared>>) dst(%dma_wait3A_352 : memref<512x128xf32, #tpu.memory_space<hbm>>)
    %dma_wait3A_353 = arith.constant 0 : i32
    %dma_wait3A_354 = tpu.memref_slice %arg3[%add3A_197, %dma_wait3A_353] : memref<640000x128xf32, #tpu.memory_space<hbm>> -> memref<512x128xf32, #tpu.memory_space<hbm>>
    tpu.wait_dma2 semaphore(%arg6 : memref<!tpu.dma_semaphore, #tpu.memory_space<semaphore_mem>>) src(%arg5 : memref<512x128xf32, #tpu.memory_space<vmem_shared>>) dst(%dma_wait3A_354 : memref<512x128xf32, #tpu.memory_space<hbm>>)
    %dma_wait3A_355 = arith.constant 0 : i32
    %dma_wait3A_356 = tpu.memref_slice %arg3[%add3A_201, %dma_wait3A_355] : memref<640000x128xf32, #tpu.memory_space<hbm>> -> memref<512x128xf32, #tpu.memory_space<hbm>>
    tpu.wait_dma2 semaphore(%arg6 : memref<!tpu.dma_semaphore, #tpu.memory_space<semaphore_mem>>) src(%arg5 : memref<512x128xf32, #tpu.memory_space<vmem_shared>>) dst(%dma_wait3A_356 : memref<512x128xf32, #tpu.memory_space<hbm>>)
    %dma_wait3A_357 = arith.constant 0 : i32
    %dma_wait3A_358 = tpu.memref_slice %arg3[%add3A_205, %dma_wait3A_357] : memref<640000x128xf32, #tpu.memory_space<hbm>> -> memref<512x128xf32, #tpu.memory_space<hbm>>
    tpu.wait_dma2 semaphore(%arg6 : memref<!tpu.dma_semaphore, #tpu.memory_space<semaphore_mem>>) src(%arg5 : memref<512x128xf32, #tpu.memory_space<vmem_shared>>) dst(%dma_wait3A_358 : memref<512x128xf32, #tpu.memory_space<hbm>>)
    %dma_wait3A_359 = arith.constant 0 : i32
    %dma_wait3A_360 = tpu.memref_slice %arg3[%add3A_209, %dma_wait3A_359] : memref<640000x128xf32, #tpu.memory_space<hbm>> -> memref<512x128xf32, #tpu.memory_space<hbm>>
    tpu.wait_dma2 semaphore(%arg6 : memref<!tpu.dma_semaphore, #tpu.memory_space<semaphore_mem>>) src(%arg5 : memref<512x128xf32, #tpu.memory_space<vmem_shared>>) dst(%dma_wait3A_360 : memref<512x128xf32, #tpu.memory_space<hbm>>)
    %dma_wait3A_361 = arith.constant 0 : i32
    %dma_wait3A_362 = tpu.memref_slice %arg3[%add3A_213, %dma_wait3A_361] : memref<640000x128xf32, #tpu.memory_space<hbm>> -> memref<512x128xf32, #tpu.memory_space<hbm>>
    tpu.wait_dma2 semaphore(%arg6 : memref<!tpu.dma_semaphore, #tpu.memory_space<semaphore_mem>>) src(%arg5 : memref<512x128xf32, #tpu.memory_space<vmem_shared>>) dst(%dma_wait3A_362 : memref<512x128xf32, #tpu.memory_space<hbm>>)
    %dma_wait3A_363 = arith.constant 0 : i32
    %dma_wait3A_364 = tpu.memref_slice %arg3[%add3A_217, %dma_wait3A_363] : memref<640000x128xf32, #tpu.memory_space<hbm>> -> memref<512x128xf32, #tpu.memory_space<hbm>>
    tpu.wait_dma2 semaphore(%arg6 : memref<!tpu.dma_semaphore, #tpu.memory_space<semaphore_mem>>) src(%arg5 : memref<512x128xf32, #tpu.memory_space<vmem_shared>>) dst(%dma_wait3A_364 : memref<512x128xf32, #tpu.memory_space<hbm>>)
    %dma_wait3A_365 = arith.constant 0 : i32
    %dma_wait3A_366 = tpu.memref_slice %arg3[%add3A_221, %dma_wait3A_365] : memref<640000x128xf32, #tpu.memory_space<hbm>> -> memref<512x128xf32, #tpu.memory_space<hbm>>
    tpu.wait_dma2 semaphore(%arg6 : memref<!tpu.dma_semaphore, #tpu.memory_space<semaphore_mem>>) src(%arg5 : memref<512x128xf32, #tpu.memory_space<vmem_shared>>) dst(%dma_wait3A_366 : memref<512x128xf32, #tpu.memory_space<hbm>>)
    %dma_wait3A_367 = arith.constant 0 : i32
    %dma_wait3A_368 = tpu.memref_slice %arg3[%add3A_225, %dma_wait3A_367] : memref<640000x128xf32, #tpu.memory_space<hbm>> -> memref<512x128xf32, #tpu.memory_space<hbm>>
    tpu.wait_dma2 semaphore(%arg6 : memref<!tpu.dma_semaphore, #tpu.memory_space<semaphore_mem>>) src(%arg5 : memref<512x128xf32, #tpu.memory_space<vmem_shared>>) dst(%dma_wait3A_368 : memref<512x128xf32, #tpu.memory_space<hbm>>)
    %dma_wait3A_369 = arith.constant 0 : i32
    %dma_wait3A_370 = tpu.memref_slice %arg3[%add3A_229, %dma_wait3A_369] : memref<640000x128xf32, #tpu.memory_space<hbm>> -> memref<512x128xf32, #tpu.memory_space<hbm>>
    tpu.wait_dma2 semaphore(%arg6 : memref<!tpu.dma_semaphore, #tpu.memory_space<semaphore_mem>>) src(%arg5 : memref<512x128xf32, #tpu.memory_space<vmem_shared>>) dst(%dma_wait3A_370 : memref<512x128xf32, #tpu.memory_space<hbm>>)
    %dma_wait3A_371 = arith.constant 0 : i32
    %dma_wait3A_372 = tpu.memref_slice %arg3[%add3A_233, %dma_wait3A_371] : memref<640000x128xf32, #tpu.memory_space<hbm>> -> memref<512x128xf32, #tpu.memory_space<hbm>>
    tpu.wait_dma2 semaphore(%arg6 : memref<!tpu.dma_semaphore, #tpu.memory_space<semaphore_mem>>) src(%arg5 : memref<512x128xf32, #tpu.memory_space<vmem_shared>>) dst(%dma_wait3A_372 : memref<512x128xf32, #tpu.memory_space<hbm>>)
    %dma_wait3A_373 = arith.constant 0 : i32
    %dma_wait3A_374 = tpu.memref_slice %arg3[%add3A_237, %dma_wait3A_373] : memref<640000x128xf32, #tpu.memory_space<hbm>> -> memref<512x128xf32, #tpu.memory_space<hbm>>
    tpu.wait_dma2 semaphore(%arg6 : memref<!tpu.dma_semaphore, #tpu.memory_space<semaphore_mem>>) src(%arg5 : memref<512x128xf32, #tpu.memory_space<vmem_shared>>) dst(%dma_wait3A_374 : memref<512x128xf32, #tpu.memory_space<hbm>>)
    %dma_wait3A_375 = arith.constant 0 : i32
    %dma_wait3A_376 = tpu.memref_slice %arg3[%add3A_241, %dma_wait3A_375] : memref<640000x128xf32, #tpu.memory_space<hbm>> -> memref<512x128xf32, #tpu.memory_space<hbm>>
    tpu.wait_dma2 semaphore(%arg6 : memref<!tpu.dma_semaphore, #tpu.memory_space<semaphore_mem>>) src(%arg5 : memref<512x128xf32, #tpu.memory_space<vmem_shared>>) dst(%dma_wait3A_376 : memref<512x128xf32, #tpu.memory_space<hbm>>)
    %dma_wait3A_377 = arith.constant 0 : i32
    %dma_wait3A_378 = tpu.memref_slice %arg3[%add3A_245, %dma_wait3A_377] : memref<640000x128xf32, #tpu.memory_space<hbm>> -> memref<512x128xf32, #tpu.memory_space<hbm>>
    tpu.wait_dma2 semaphore(%arg6 : memref<!tpu.dma_semaphore, #tpu.memory_space<semaphore_mem>>) src(%arg5 : memref<512x128xf32, #tpu.memory_space<vmem_shared>>) dst(%dma_wait3A_378 : memref<512x128xf32, #tpu.memory_space<hbm>>)
    %dma_wait3A_379 = arith.constant 0 : i32
    %dma_wait3A_380 = tpu.memref_slice %arg3[%add3A_249, %dma_wait3A_379] : memref<640000x128xf32, #tpu.memory_space<hbm>> -> memref<512x128xf32, #tpu.memory_space<hbm>>
    tpu.wait_dma2 semaphore(%arg6 : memref<!tpu.dma_semaphore, #tpu.memory_space<semaphore_mem>>) src(%arg5 : memref<512x128xf32, #tpu.memory_space<vmem_shared>>) dst(%dma_wait3A_380 : memref<512x128xf32, #tpu.memory_space<hbm>>)
    %dma_wait3A_381 = arith.constant 0 : i32
    %dma_wait3A_382 = tpu.memref_slice %arg3[%add3A_253, %dma_wait3A_381] : memref<640000x128xf32, #tpu.memory_space<hbm>> -> memref<512x128xf32, #tpu.memory_space<hbm>>
    tpu.wait_dma2 semaphore(%arg6 : memref<!tpu.dma_semaphore, #tpu.memory_space<semaphore_mem>>) src(%arg5 : memref<512x128xf32, #tpu.memory_space<vmem_shared>>) dst(%dma_wait3A_382 : memref<512x128xf32, #tpu.memory_space<hbm>>)
    return
  }
}

</mosaic_0001>

<sc_bundles>
// kernel: kernel.3.cloned.1.call-start
scs
__scs_entry_jumppad:
0x0: {  	(pc) =	sbr.rel $0x88, $3  }
0x1: {  	(tag) =	ssettag $0x0;
	lr =	simm.s32 $0x1  }
0x2: {  	[smem:$0x3FA0] =	sst lr;
	_ =	strace $0xD0000000  }
0x3: {  	_ = 	snop  }
0x4: {  	_ = 	snop  }
0x5: {  	_ = 	snop  }
0x6: {  	_ = 	snop  }
0x7: {  	_ = 	snop  }
__scs_overlays_trampoline_lowered:
0x8: {  	[smem:$0x3FAF] =	sst s0  }
0x9: {  	[smem:$0x3FB0] =	sst s1  }
0xa: {  	[smem:$0x3FB1] =	sst s2  }
0xb: {  	[smem:$0x3FB2] =	sst s3  }
0xc: {  	[smem:$0x3FB3] =	sst s4  }
0xd: {  	[smem:$0x3FB4] =	sst s5  }
0xe: {  	[smem:$0x3FB5] =	sst s6  }
0xf: {  	[smem:$0x3FB6] =	sst s7  }
0x10: {  	[smem:$0x3FB7] =	sst s8  }
0x11: {  	[smem:$0x3FB8] =	sst s9;
	s0 =	simm.s32 @!p0 $0x0  }
0x12: {  	s1 =	sld [smem:$0x3F9E];
	s0 =	simm.s32 @p0 $0x1  }
0x13: {  	[smem:$0x3FB9] =	sst s0;
	s0 =	simm.s32 @!p1 $0x0  }
0x14: {  	s2 =	sld [smem:$0x3F9D];
	s0 =	simm.s32 @p1 $0x1  }
0x15: {  	[smem:$0x3FBA] =	sst s0;
	s0 =	simm.s32 @!p2 $0x0  }
0x16: {  	s3 =	sld [smem:$0x3FDB];
	s0 =	simm.s32 @p2 $0x1  }
0x17: {  	s4 =	simm.s32 $0x1BF5;
	[smem:$0x3FBC] =	sst s0  }
0x18: {  	s0 =	sld [smem:$0x3F9F];
	_ =	swait.ge [sflag:s4], $0x0  }
0x19: {  	s7 =	sld [smem:$0x3FA0]  }
0x1a: {  	s8 =	sadd.s32 $0xFFFFE003, lr  }
0x1b: {  	s9 =	sadd.s32 $0xFFFFFEF7, lr;
	s5 =	simm.s32 $0xFFFFFFFF;
	p2 =	slt.u32 s8, $0xFFFFF086  }
0x1c: {  	p1 =	slt.u32 s9, $0xF7A;
	s5 =	simm.s32 @!p2 $0x0  }
0x1d: {  	s5 =	simm.s32 @p1 $0x1;
	p0 =	seq.s32 s7, s2  }
0x1e: {  	s7 =	smul.u32 @!p0 $0xF7A, s2;
	p2 =	seq.s32 @!p0 s5, $0x0  }
0x1f: {  	s9 =	smul.u32 $0xF7A, s1;
	s8 =	simm.s32 @!p0 $0x1BF5;
	p2 =	por !p2, p0  }
0x20: {  	[sflag:s8] =	ssyncset.s32 @!p0 $0xFFFFF086;
	s6 =	sadd.s32 @!p0 s3, s7;
	s7 =	simm.s32 @!p0 $0x108  }
0x21: {  	s3 =	sadd.s32 s3, s9;
	s6 =	sadd.s32 @!p0 $0x88, s6;
	s7 =	simm.s32 @p2 $0x1082  }
0x22: {  	[simem:s7], [sflag:s8] =	dma.local @!p0 [hbm:s6], $0xF7A  }
0x23: {  	s9 =	sor.u32 $0xD0000000, s2;
	s6 =	simm.s32 $0x108;
	_ =	swait.ge @!p0 [sflag:s8], $0x0  }
0x24: {  	s3 =	sadd.s32 $0x88, s3;
	s6 =	simm.s32 @!p1 $0x1082;
	[sflag:s4] =	ssyncset.s32 $0xFFFFF086  }
0x25: {  	[simem:s6], [sflag:s4] =	dma.local [hbm:s3], $0xF7A  }
0x26: {  	[smem:$0x3FA0] =	sst s1;
	(tag) =	ssettag s2;
	_ =	strace s9  }
0x27: {  	s1 =	sld [smem:$0x3FB0]  }
0x28: {  	s2 =	sld [smem:$0x3FB1]  }
0x29: {  	s4 =	sld [smem:$0x3FB3]  }
0x2a: {  	p0 =	seq.s32 s5, $0x0;
	s5 =	sld [smem:$0x3FB4]  }
0x2b: {  	s6 =	sld [smem:$0x3FB5]  }
0x2c: {  	s7 =	sld [smem:$0x3FB6]  }
0x2d: {  	s3 =	simm.s32 $0x108;
	s8 =	sld [smem:$0x3FB7]  }
0x2e: {  	s3 =	simm.s32 @!p0 $0x1082;
	s9 =	sld [smem:$0x3FB8]  }
0x2f: {  	lr =	sadd.s32 s0, s3;
	s0 =	sld [smem:$0x3FAF]  }
0x30: {  	s3 =	sld [smem:$0x3FB2]  }
0x31: {  	[smem:$0x3FBB] =	sst s10  }
0x32: {  	s10 =	sld [smem:$0x3FB9];
	_ =	sdelay $0x3  }
0x33: {  	p0 =	seq.s32 s10, $0x1;
	s10 =	sld [smem:$0x3FBB];
	_ =	sdelay $0x3  }
0x34: {  	[smem:$0x3FBB] =	sst s10  }
0x35: {  	s10 =	sld [smem:$0x3FBA];
	_ =	sdelay $0x3  }
0x36: {  	p1 =	seq.s32 s10, $0x1;
	s10 =	sld [smem:$0x3FBB];
	_ =	sdelay $0x3  }
0x37: {  	[smem:$0x3FBB] =	sst s10  }
0x38: {  	s10 =	sld [smem:$0x3FBC]  }
0x39: {  	_ = 	snop;
	(pc) =	sbr.ind lr, $3  }
0x3a: {  	_ = 	snop  }
0x3b: {  	_ = 	snop  }
0x3c: {  	p2 =	seq.s32 s10, $0x1;
	s10 =	sld [smem:$0x3FBB]  }
0x3d: {  	_ =	shalt  }
0x3e: {  	_ =	shalt  }
0x3f: {  	_ =	shalt  }
0x40: {  	_ =	shalt  }
0x41: {  	_ =	shalt  }
0x42: {  	_ =	shalt  }
0x43: {  	_ =	shalt  }
0x44: {  	_ =	shalt  }
0x45: {  	_ =	shalt  }
0x46: {  	_ =	shalt  }
0x47: {  	_ =	shalt  }
0x48: {  	_ =	shalt  }
0x49: {  	_ =	shalt  }
0x4a: {  	_ =	shalt  }
0x4b: {  	_ =	shalt  }
0x4c: {  	_ =	shalt  }
0x4d: {  	_ =	shalt  }
0x4e: {  	_ =	shalt  }
0x4f: {  	_ =	shalt  }
0x50: {  	_ =	shalt  }
0x51: {  	_ =	shalt  }
0x52: {  	_ =	shalt  }
0x53: {  	_ =	shalt  }
0x54: {  	_ =	shalt  }
0x55: {  	_ =	shalt  }
0x56: {  	_ =	shalt  }
0x57: {  	_ =	shalt  }
0x58: {  	_ =	shalt  }
0x59: {  	_ =	shalt  }
0x5a: {  	_ =	shalt  }
0x5b: {  	_ =	shalt  }
0x5c: {  	_ =	shalt  }
0x5d: {  	_ =	shalt  }
0x5e: {  	_ =	shalt  }
0x5f: {  	_ =	shalt  }
0x60: {  	_ =	shalt  }
0x61: {  	_ =	shalt  }
0x62: {  	_ =	shalt  }
0x63: {  	_ =	shalt  }
0x64: {  	_ =	shalt  }
0x65: {  	_ =	shalt  }
0x66: {  	_ =	shalt  }
0x67: {  	_ =	shalt  }
0x68: {  	_ =	shalt  }
0x69: {  	_ =	shalt  }
0x6a: {  	_ =	shalt  }
0x6b: {  	_ =	shalt  }
0x6c: {  	_ =	shalt  }
0x6d: {  	_ =	shalt  }
0x6e: {  	_ =	shalt  }
0x6f: {  	_ =	shalt  }
0x70: {  	_ =	shalt  }
0x71: {  	_ =	shalt  }
0x72: {  	_ =	shalt  }
0x73: {  	_ =	shalt  }
0x74: {  	_ =	shalt  }
0x75: {  	_ =	shalt  }
0x76: {  	_ =	shalt  }
0x77: {  	_ =	shalt  }
0x78: {  	_ =	shalt  }
0x79: {  	_ =	shalt  }
0x7a: {  	_ =	shalt  }
0x7b: {  	_ =	shalt  }
0x7c: {  	_ =	shalt  }
0x7d: {  	_ =	shalt  }
0x7e: {  	_ =	shalt  }
0x7f: {  	_ =	shalt  }
0x80: {  	_ =	shalt  }
0x81: {  	_ =	shalt  }
0x82: {  	_ =	shalt  }
0x83: {  	_ =	shalt  }
0x84: {  	_ =	shalt  }
0x85: {  	_ =	shalt  }
0x86: {  	_ =	shalt  }
0x87: {  	_ =	shalt  }
.Lfunc_end0:
.L_simem_size_0:
called_computation_lowered:
.L_overlay_start_0:
0x88: {  	s2 =	sld [smem:$0x3FD9]  }
0x89: {  	s3 =	sld [smem:$0x3FFE];
	_ =	sdelay $0x1  }
0x8a: {  	s1 =	srdreg.scid  }
0x8b: {  	s0 =	sand.u32 $0x1, s1  }
0x8c: {  	s18 =	sshll.u32 s0, $0xA;
	s2 =	sadd.s32 s3, s2  }
0x8d: {  	s2 =	sadd.s32 s2, s18  }
0x8e: {  	[smem:$0x3FC7] =	sst s2  }
0x8f: {  	_ = 	snop  }
0x90: {  	s2 =	sld [smem:$0x3FC9]  }
0x91: {  	s19 =	sld [smem:$0x3FD0];
	(tm) =	ssettm $0x1  }
0x92: {  	s4 =	sld [smem:$0x3FFB];
	_ =	sdelay $0x3  }
0x93: {  	_ =	strace s4  }
0x94: {  	s4 =	sld [smem:$0x3FFC];
	_ =	sdelay $0x3  }
0x95: {  	_ =	strace s4  }
0x96: {  	s4 =	sld [smem:$0x3FFD];
	_ =	sdelay $0x3  }
0x97: {  	_ =	strace s4  }
0x98: {  	_ =	strace $0x8FFFFFFF  }
0x99: {  	s20 =	sld [smem:$0x3FDB];
	_ =	sdelay $0x1  }
0x9a: {  	s5 =	simm.s32 $_scs_section_size  }
0x9b: {  	s6 =	simm.s32 $_size__tile_overlayer_lowered;
	s7 =	simm.s32 $_tile_overlayer_lowered  }
0x9c: {  	s23 =	simm.s32 $0x1BFF;
	s22 =	sshll.u32 s7, $0x1;
	s4 =	sadd.s32 s5, s20  }
0x9d: {  	s8 =	simm.s32 $0x0;
	s21 =	sshll.u32 s6, $0x1;
	s6 =	sadd.s32 s22, s4  }
0x9e: {  	[timem:s8], [sflag:s23] =	dma.local [hbm:s6], s21  }
0x9f: {  	_ =	swait.ge [sflag:s23], s21  }
0xa0: {  	s5 =	ssub.s32 $0x0, s21;
	[sflag:s23] =	ssyncset.done $0x0  }
0xa1: {  	[sflag:s23] =	ssyncadd.s32 s5;
	_ =	sdelay $0x1  }
0xa2: {  	s24 =	simm.s32 $0x1B8B  }
0xa3: {  	_ =	swait.ge [sflag:s24], $0x1  }
0xa4: {  	[sflag:s24] =	ssyncset.done $0x0  }
0xa5: {  	s25 =	simm.s32 $0x1B8E;
	[sflag:s24] =	ssyncadd.s32 $0xFFFFFFFF  }
0xa6: {  	s26 =	simm.s32 $execute0_lowered;
	[smem:$0x3FD2] =	sst s25  }
0xa7: {  	s5 =	sshll.u32 s26, $0x1;
	_ =	strace $0x80000046;
	[dreg:$0x1] =	wrdreg $0xFFFFFFFF  }
0xa8: {  	s28 =	simm.s32 $_size_execute0_lowered;
	s4 =	sadd.s32 s4, s5;
	[dreg:$0x0] =	wrdreg $0x0  }
0xa9: {  	s5 =	sshll.u32 s28, $0x1;
	[dreg:$0x2] =	wrdreg s4  }
0xaa: {  	[dreg:$0x3] =	wrdreg s5  }
0xab: {  	[dreg:$0x4] =	wrdreg $0xC0  }
0xac: {  	_ =	task [dreg:s8], $0x5FFFF  }
0xad: {  	[dreg:$0x1] =	wrdreg $0xFFFFFFFF  }
0xae: {  	[dreg:$0x0] =	wrdreg $0x60  }
0xaf: {  	[dreg:$0x2] =	wrdreg s2  }
0xb0: {  	[dreg:$0x3] =	wrdreg s19  }
0xb1: {  	[dreg:$0x4] =	wrdreg $0x100000  }
0xb2: {  	[dreg:$0x5] =	wrdreg $0x9  }
0xb3: {  	_ =	task.clear_ibuf [dreg:s8], $0x6FFFF;
	_ =	strace $0x90000046  }
0xb4: {  	s29 =	simm.s32 $0x9;
	_ =	strace $0x80000048  }
0xb5: {  	_ =	swait.ge [sflag:s29], $0x1  }
0xb6: {  	[sflag:s29] =	ssyncadd.s32 $0xFFFFFFFF  }
0xb7: {  	_ =	strace $0x90000048  }
0xb8: {  	_ =	sfence  }
0xb9: {  	s30 =	sld [smem:$0x0];
	_ =	sdelay $0x2  }
0xba: {  	s31 =	sshll.u32 s1, $0xD;
	s1 =	sshrl.u32 s1, $0x2  }
0xbb: {  	s3 =	sand.u32 $0x4000, s31;
	s1 =	sadd.s32 s1, s30  }
0xbc: {  	s0 =	sor.u32 s3, s0;
	s1 =	sshll.u32 s1, $0x11  }
0xbd: {  	s0 =	sor.u32 s1, s0  }
0xbe: {  	s0 =	sadd.s32 $0x8F2B, s0  }
0xbf: {  	[sflag:s0] =	ssyncadd.remote.s32 $0x1  }
0xc0: {  	_ =	sfence.sel $0xFFFF  }
0xc1: {  	[dreg:$0x0] =	wrdreg $0xFFFFFFFF;
	(pc) =	sbr.abs _section_cstart, $3  }
0xc2: {  	[dreg:$0x1] =	wrdreg $0xFFFFFFFF  }
0xc3: {  	_ =	task.clear_ibuf [dreg:s8], $0x2FFFF;
	_ =	strace $0x9FFFFFFF  }
0xc4: {  	(tm) =	ssettm $0x7FFFFFFF  }
0xc5: {  	_ =	shalt  }
tec
execute0_lowered:
.L_overlay_start_1:
0x0: {  	(tag) =	ssettag $0x1  }
0x1: {  	s0 =	srdreg.scid;
	s16 =	stileid.u32  }
0x2: {  	s0 =	sand.u32 $0x1, s0;
	s2 =	sshll.u32 s16, $0x1  }
0x3: {  	s2 =	sor.u32 s0, s2  }
0x4: {  	s1 =	rddreg [dreg:$0x1];
	s4 =	simm.s32 $0x0;
	s3 =	smul.u32 $0x271000, s2  }
0x5: {  	[smem:$0x7FF] =	sst s4;
	p0 =	sne.s32 s16, $0x0;
	s2 =	smul.u32 $0x4E200, s2  }
0x6: {  	s16 =	simm.s32 $0x2;
	s0 =	ssub.s32 $0x2, s0;
	s3 =	sshrl.u32 s3, $0x3  }
0x7: {  	_ =	strace $0x80000047;
	s8 =	sadd.s32 s1, s2;
	s14 =	sadd.s32 s1, s3  }
0x8: {  	s5 =	sshrl.u32 s0, $0x1;
	[dreg:$0x4] =	wrdreg s8;
	s9 =	sadd.s32 $0x2000, s14  }
0x9: {  	s15 =	ssub.s32 s0, s5;
	s10 =	sadd.s32 $0x4000, s14;
	[dreg:$0x5] =	wrdreg s9  }
0xa: {  	s15 =	smax.u32 s15, $0x1;
	s11 =	sadd.s32 $0x6000, s14;
	[dreg:$0x6] =	wrdreg s10  }
0xb: {  	s12 =	sadd.s32 $0x8000, s14;
	s13 =	sadd.s32 $0xA000, s14;
	[dreg:$0x7] =	wrdreg s11  }
0xc: {  	s17 =	sadd.s32 $0xC000, s14;
	s18 =	sadd.s32 $0xE000, s14;
	[dreg:$0x8] =	wrdreg s12  }
0xd: {  	s19 =	sadd.s32 $0x10000, s14;
	s20 =	sadd.s32 $0x12000, s14;
	[dreg:$0x9] =	wrdreg s13  }
0xe: {  	s21 =	sadd.s32 $0x14000, s14;
	s22 =	sadd.s32 $0x16000, s14;
	[dreg:$0xa] =	wrdreg s17  }
0xf: {  	s23 =	sadd.s32 $0x18000, s14;
	s24 =	sadd.s32 $0x1A000, s14;
	[dreg:$0xb] =	wrdreg s18  }
0x10: {  	s25 =	sadd.s32 $0x1C000, s14;
	s26 =	sadd.s32 $0x1E000, s14;
	[dreg:$0xc] =	wrdreg s19  }
0x11: {  	s28 =	sadd.s32 $0x2A000, s14;
	s29 =	sadd.s32 $0x2C000, s14;
	[dreg:$0xd] =	wrdreg s20  }
0x12: {  	s30 =	sadd.s32 $0x2E000, s14;
	s31 =	sadd.s32 $0x30000, s14;
	[dreg:$0xe] =	wrdreg s21  }
0x13: {  	s2 =	sadd.s32 $0x32000, s14;
	s0 =	sadd.s32 $0x34000, s14;
	[dreg:$0xf] =	wrdreg s22  }
0x14: {  	s1 =	sadd.s32 $0x36000, s14;
	s3 =	sadd.s32 $0x38000, s14;
	[dreg:$0x10] =	wrdreg s23  }
0x15: {  	s5 =	sadd.s32 $0x3A000, s14;
	s6 =	sadd.s32 $0x3C000, s14;
	[dreg:$0x11] =	wrdreg s24  }
0x16: {  	s7 =	sadd.s32 $0x3E000, s14;
	s8 =	sadd.s32 $0x40000, s14;
	[dreg:$0x12] =	wrdreg s25  }
0x17: {  	[dreg:$0x13] =	wrdreg s26;
	s21 =	sadd.s32 $0x20000, s14;
	s22 =	sadd.s32 $0x22000, s14  }
0x18: {  	s23 =	sadd.s32 $0x24000, s14;
	s24 =	sadd.s32 $0x26000, s14;
	s25 =	sadd.s32 $0x4E000, s14  }
0x19: {  	s26 =	sadd.s32 $0x28000, s14;
	s9 =	sadd.s32 $0x42000, s14;
	s10 =	sadd.s32 $0x44000, s14  }
0x1a: {  	s11 =	sadd.s32 $0x46000, s14;
	s12 =	sadd.s32 $0x48000, s14;
	s13 =	sadd.s32 $0x4A000, s14  }
0x1b: {  	s14 =	sadd.s32 $0x4C000, s14;
	s17 =	simm.s32 $0x1;
	s18 =	simm.s32 $0x0  }
.LBB2_1:
0x1c: {  	s19 =	rddreg [dreg:$0x0]  }
0x1d: {  	[tilespmem:s4], [sflag:$0x2] =	stream.linear.gather [hbm4b:s19+s4], $0x80, $0x38;
	[tilespmem:$0x11000] =	vst v63  }
0x1e: {  	_ =	swait.ge [sflag:s16], $0x80  }
0x1f: {  	[sflag:s16] =	ssyncset.done $0x0  }
0x20: {  	[sflag:s16] =	ssyncadd.s32 $0xFFFFFF80  }
0x21: {  	v0 =	vld [tilespmem:$0x0]  }
0x22: {  	v1 =	vld [tilespmem:$0x10]  }
0x23: {  	v2 =	vld [tilespmem:$0x20]  }
0x24: {  	v7 =	vld [tilespmem:$0x70]  }
0x25: {  	v3 =	vld [tilespmem:$0x30]  }
0x26: {  	v4 =	vld [tilespmem:$0x40]  }
0x27: {  	v5 =	vld [tilespmem:$0x50]  }
0x28: {  	s20 =	simm.s32 $0x200;
	s19 =	simm.s32 $0x0;
	v6 =	vld [tilespmem:$0x60]  }
.LBB2_2:
0x29: {  	p1 =	sne.s32 s20, $0x3FC00;
	[tilespmem:s19+$0xF0] =	vst v7  }
0x2a: {  	[tilespmem:s19+$0x80] =	vst v0  }
0x2b: {  	[tilespmem:s19+$0x90] =	vst v1  }
.Ltmp0:
0x2c: {  	[tilespmem:s19+$0xA0] =	vst v2;
	(pc) =	sbr.rel @p1 .LBB2_2-.Ltmp0, $4  }
0x2d: {  	[tilespmem:s19+$0xB0] =	vst v3  }
0x2e: {  	[tilespmem:s19+$0xC0] =	vst v4  }
0x2f: {  	[tilespmem:s19+$0xD0] =	vst v5  }
0x30: {  	[tilespmem:s19+$0xE0] =	vst v6;
	s19 =	sshra.s32 s20, $0x2;
	s20 =	sadd.s32 $0x200, s20  }
0x31: {  	[tilespmem:s19+$0xF0] =	vst v7  }
0x32: {  	[tilespmem:s19+$0x80] =	vst v0  }
0x33: {  	[tilespmem:s19+$0x90] =	vst v1  }
0x34: {  	[tilespmem:s19+$0xA0] =	vst v2  }
0x35: {  	[tilespmem:s19+$0xB0] =	vst v3  }
0x36: {  	[tilespmem:s19+$0xC0] =	vst v4  }
0x37: {  	[tilespmem:s19+$0xD0] =	vst v5  }
0x38: {  	[tilespmem:s19+$0xE0] =	vst v6;
	s20 =	rddreg [dreg:$0x4]  }
0x39: {  	[hbm4b:s20+s4] =	stream.linear.scatter [tilespmem:s4], [sflag:$0x1], $0x10000, $0x38;
	[tilespmem:$0x11000] =	vst v63  }
0x3a: {  	s20 =	rddreg [dreg:$0x5]  }
0x3b: {  	[hbm4b:s20+s4] =	stream.linear.scatter [tilespmem:s4], [sflag:$0x1], $0x10000, $0x38;
	[tilespmem:$0x11000] =	vst v63  }
0x3c: {  	s20 =	rddreg [dreg:$0x6]  }
0x3d: {  	[hbm4b:s20+s4] =	stream.linear.scatter [tilespmem:s4], [sflag:$0x1], $0x10000, $0x38;
	[tilespmem:$0x11000] =	vst v63  }
0x3e: {  	s20 =	rddreg [dreg:$0x7]  }
0x3f: {  	[hbm4b:s20+s4] =	stream.linear.scatter [tilespmem:s4], [sflag:$0x1], $0x10000, $0x38;
	[tilespmem:$0x11000] =	vst v63  }
0x40: {  	s20 =	rddreg [dreg:$0x8]  }
0x41: {  	[hbm4b:s20+s4] =	stream.linear.scatter [tilespmem:s4], [sflag:$0x1], $0x10000, $0x38;
	[tilespmem:$0x11000] =	vst v63  }
0x42: {  	s20 =	rddreg [dreg:$0x9]  }
0x43: {  	[hbm4b:s20+s4] =	stream.linear.scatter [tilespmem:s4], [sflag:$0x1], $0x10000, $0x38;
	[tilespmem:$0x11000] =	vst v63  }
0x44: {  	s20 =	rddreg [dreg:$0xa]  }
0x45: {  	[hbm4b:s20+s4] =	stream.linear.scatter [tilespmem:s4], [sflag:$0x1], $0x10000, $0x38;
	[tilespmem:$0x11000] =	vst v63  }
0x46: {  	s20 =	rddreg [dreg:$0xb]  }
0x47: {  	[hbm4b:s20+s4] =	stream.linear.scatter [tilespmem:s4], [sflag:$0x1], $0x10000, $0x38;
	[tilespmem:$0x11000] =	vst v63  }
0x48: {  	s20 =	rddreg [dreg:$0xc]  }
0x49: {  	[hbm4b:s20+s4] =	stream.linear.scatter [tilespmem:s4], [sflag:$0x1], $0x10000, $0x38;
	[tilespmem:$0x11000] =	vst v63  }
0x4a: {  	s20 =	rddreg [dreg:$0xd]  }
0x4b: {  	[hbm4b:s20+s4] =	stream.linear.scatter [tilespmem:s4], [sflag:$0x1], $0x10000, $0x38;
	[tilespmem:$0x11000] =	vst v63  }
0x4c: {  	s20 =	rddreg [dreg:$0xe]  }
0x4d: {  	[hbm4b:s20+s4] =	stream.linear.scatter [tilespmem:s4], [sflag:$0x1], $0x10000, $0x38;
	[tilespmem:$0x11000] =	vst v63  }
0x4e: {  	s20 =	rddreg [dreg:$0xf]  }
0x4f: {  	[hbm4b:s20+s4] =	stream.linear.scatter [tilespmem:s4], [sflag:$0x1], $0x10000, $0x38;
	[tilespmem:$0x11000] =	vst v63  }
0x50: {  	s20 =	rddreg [dreg:$0x10]  }
0x51: {  	[hbm4b:s20+s4] =	stream.linear.scatter [tilespmem:s4], [sflag:$0x1], $0x10000, $0x38;
	[tilespmem:$0x11000] =	vst v63  }
0x52: {  	s20 =	rddreg [dreg:$0x11]  }
0x53: {  	[hbm4b:s20+s4] =	stream.linear.scatter [tilespmem:s4], [sflag:$0x1], $0x10000, $0x38;
	[tilespmem:$0x11000] =	vst v63  }
0x54: {  	s20 =	rddreg [dreg:$0x12]  }
0x55: {  	[hbm4b:s20+s4] =	stream.linear.scatter [tilespmem:s4], [sflag:$0x1], $0x10000, $0x38;
	[tilespmem:$0x11000] =	vst v63  }
0x56: {  	s20 =	rddreg [dreg:$0x13]  }
0x57: {  	[hbm4b:s20+s4] =	stream.linear.scatter [tilespmem:s4], [sflag:$0x1], $0x10000, $0x38;
	[tilespmem:$0x11000] =	vst v63  }
0x58: {  	_ = 	snop  }
0x59: {  	[hbm4b:s21+s4] =	stream.linear.scatter [tilespmem:s4], [sflag:$0x1], $0x10000, $0x38;
	[tilespmem:$0x11000] =	vst v63  }
0x5a: {  	_ = 	snop  }
0x5b: {  	[hbm4b:s22+s4] =	stream.linear.scatter [tilespmem:s4], [sflag:$0x1], $0x10000, $0x38;
	[tilespmem:$0x11000] =	vst v63  }
0x5c: {  	_ = 	snop  }
0x5d: {  	[hbm4b:s23+s4] =	stream.linear.scatter [tilespmem:s4], [sflag:$0x1], $0x10000, $0x38;
	[tilespmem:$0x11000] =	vst v63  }
0x5e: {  	_ = 	snop  }
0x5f: {  	[hbm4b:s24+s4] =	stream.linear.scatter [tilespmem:s4], [sflag:$0x1], $0x10000, $0x38;
	[tilespmem:$0x11000] =	vst v63  }
0x60: {  	_ = 	snop  }
0x61: {  	[hbm4b:s25+s4] =	stream.linear.scatter [tilespmem:s4], [sflag:$0x1], $0x1000, $0x38;
	[tilespmem:$0x11000] =	vst v63  }
0x62: {  	s19 =	simm.s32 @!p0 $0x0;
	s20 =	rddreg [dreg:$0x2]  }
0x63: {  	[spmem:s20] =	stream.linear.scatter @!p0 [tilespmem:s19], [sflag:$0x2], $0x10000, $0x38;
	[tilespmem:$0x11000] =	vst v63  }
0x64: {  	s19 =	simm.s32 @!p0 $0x2  }
0x65: {  	_ =	swait.ge @!p0 [sflag:s19], $0x10000  }
0x66: {  	[sflag:s19] =	ssyncset.done @!p0 $0x0  }
0x67: {  	[sflag:s19] =	ssyncadd.s32 @!p0 $0xFFFF0000;
	s19 =	stileid.u32  }
0x68: {  	s19 =	sshll.u32 s19, $0x6  }
0x69: {  	s20 =	sshrl.u32 s20, $0x3;
	[bflag:$0x0] =	sbarrier.arrive $0xFFFF;
	s19 =	sor.u32 $0x1C01, s19  }
0x6a: {  	[hbm:s26], [sflag:s19] =	dma.local [spmem:s20], $0x2000  }
0x6b: {  	[hbm:s28], [sflag:s19] =	dma.local [spmem:s20], $0x2000  }
0x6c: {  	[hbm:s29], [sflag:s19] =	dma.local [spmem:s20], $0x2000  }
0x6d: {  	[hbm:s30], [sflag:s19] =	dma.local [spmem:s20], $0x2000  }
0x6e: {  	[hbm:s31], [sflag:s19] =	dma.local [spmem:s20], $0x2000  }
0x6f: {  	[hbm:s2], [sflag:s19] =	dma.local [spmem:s20], $0x2000  }
0x70: {  	[hbm:s0], [sflag:s19] =	dma.local [spmem:s20], $0x2000  }
0x71: {  	[hbm:s1], [sflag:s19] =	dma.local [spmem:s20], $0x2000  }
0x72: {  	[hbm:s3], [sflag:s19] =	dma.local [spmem:s20], $0x2000  }
0x73: {  	[hbm:s5], [sflag:s19] =	dma.local [spmem:s20], $0x2000  }
0x74: {  	[hbm:s6], [sflag:s19] =	dma.local [spmem:s20], $0x2000  }
0x75: {  	[hbm:s7], [sflag:s19] =	dma.local [spmem:s20], $0x2000  }
0x76: {  	[hbm:s8], [sflag:s19] =	dma.local [spmem:s20], $0x2000  }
0x77: {  	[hbm:s9], [sflag:s19] =	dma.local [spmem:s20], $0x2000  }
0x78: {  	[hbm:s10], [sflag:s19] =	dma.local [spmem:s20], $0x2000  }
0x79: {  	[hbm:s11], [sflag:s19] =	dma.local [spmem:s20], $0x2000  }
0x7a: {  	[hbm:s12], [sflag:s19] =	dma.local [spmem:s20], $0x2000  }
0x7b: {  	[hbm:s13], [sflag:s19] =	dma.local [spmem:s20], $0x2000  }
0x7c: {  	[hbm:s14], [sflag:s19] =	dma.local [spmem:s20], $0x2000  }
0x7d: {  	_ =	swait.ge [sflag:s17], $0x10000  }
0x7e: {  	[sflag:s17] =	ssyncset.done $0x0  }
0x7f: {  	[sflag:s17] =	ssyncadd.s32 $0xFFFF0000  }
0x80: {  	_ =	swait.ge [sflag:s17], $0x10000  }
0x81: {  	[sflag:s17] =	ssyncset.done $0x0  }
0x82: {  	[sflag:s17] =	ssyncadd.s32 $0xFFFF0000  }
0x83: {  	_ =	swait.ge [sflag:s17], $0x10000  }
0x84: {  	[sflag:s17] =	ssyncset.done $0x0  }
0x85: {  	[sflag:s17] =	ssyncadd.s32 $0xFFFF0000  }
0x86: {  	_ =	swait.ge [sflag:s17], $0x10000  }
0x87: {  	[sflag:s17] =	ssyncset.done $0x0  }
0x88: {  	[sflag:s17] =	ssyncadd.s32 $0xFFFF0000  }
0x89: {  	_ =	swait.ge [sflag:s17], $0x10000  }
0x8a: {  	[sflag:s17] =	ssyncset.done $0x0  }
0x8b: {  	[sflag:s17] =	ssyncadd.s32 $0xFFFF0000  }
0x8c: {  	_ =	swait.ge [sflag:s17], $0x10000  }
0x8d: {  	[sflag:s17] =	ssyncset.done $0x0  }
0x8e: {  	[sflag:s17] =	ssyncadd.s32 $0xFFFF0000  }
0x8f: {  	_ =	swait.ge [sflag:s17], $0x10000  }
0x90: {  	[sflag:s17] =	ssyncset.done $0x0  }
0x91: {  	[sflag:s17] =	ssyncadd.s32 $0xFFFF0000  }
0x92: {  	_ =	swait.ge [sflag:s17], $0x10000  }
0x93: {  	[sflag:s17] =	ssyncset.done $0x0  }
0x94: {  	[sflag:s17] =	ssyncadd.s32 $0xFFFF0000  }
0x95: {  	_ =	swait.ge [sflag:s17], $0x10000  }
0x96: {  	[sflag:s17] =	ssyncset.done $0x0  }
0x97: {  	[sflag:s17] =	ssyncadd.s32 $0xFFFF0000  }
0x98: {  	_ =	swait.ge [sflag:s17], $0x10000  }
0x99: {  	[sflag:s17] =	ssyncset.done $0x0  }
0x9a: {  	[sflag:s17] =	ssyncadd.s32 $0xFFFF0000  }
0x9b: {  	_ =	swait.ge [sflag:s17], $0x10000  }
0x9c: {  	[sflag:s17] =	ssyncset.done $0x0  }
0x9d: {  	[sflag:s17] =	ssyncadd.s32 $0xFFFF0000  }
0x9e: {  	_ =	swait.ge [sflag:s17], $0x10000  }
0x9f: {  	[sflag:s17] =	ssyncset.done $0x0  }
0xa0: {  	[sflag:s17] =	ssyncadd.s32 $0xFFFF0000  }
0xa1: {  	_ =	swait.ge [sflag:s17], $0x10000  }
0xa2: {  	[sflag:s17] =	ssyncset.done $0x0  }
0xa3: {  	[sflag:s17] =	ssyncadd.s32 $0xFFFF0000  }
0xa4: {  	_ =	swait.ge [sflag:s17], $0x10000  }
0xa5: {  	[sflag:s17] =	ssyncset.done $0x0  }
0xa6: {  	[sflag:s17] =	ssyncadd.s32 $0xFFFF0000  }
0xa7: {  	_ =	swait.ge [sflag:s17], $0x10000  }
0xa8: {  	[sflag:s17] =	ssyncset.done $0x0  }
0xa9: {  	[sflag:s17] =	ssyncadd.s32 $0xFFFF0000  }
0xaa: {  	_ =	swait.ge [sflag:s17], $0x10000  }
0xab: {  	[sflag:s17] =	ssyncset.done $0x0  }
0xac: {  	[sflag:s17] =	ssyncadd.s32 $0xFFFF0000  }
0xad: {  	_ =	swait.ge [sflag:s17], $0x10000  }
0xae: {  	[sflag:s17] =	ssyncset.done $0x0  }
0xaf: {  	[sflag:s17] =	ssyncadd.s32 $0xFFFF0000  }
0xb0: {  	_ =	swait.ge [sflag:s17], $0x10000  }
0xb1: {  	[sflag:s17] =	ssyncset.done $0x0  }
0xb2: {  	[sflag:s17] =	ssyncadd.s32 $0xFFFF0000  }
0xb3: {  	_ =	swait.ge [sflag:s17], $0x10000  }
0xb4: {  	[sflag:s17] =	ssyncset.done $0x0  }
0xb5: {  	[sflag:s17] =	ssyncadd.s32 $0xFFFF0000  }
0xb6: {  	_ =	swait.ge [sflag:s17], $0x10000  }
0xb7: {  	[sflag:s17] =	ssyncset.done $0x0  }
0xb8: {  	[sflag:s17] =	ssyncadd.s32 $0xFFFF0000  }
0xb9: {  	_ =	swait.ge [sflag:s17], $0x1000  }
0xba: {  	[sflag:s17] =	ssyncset.done $0x0  }
0xbb: {  	[sflag:s17] =	ssyncadd.s32 $0xFFFFF000  }
0xbc: {  	_ =	swait.ge [sflag:s17], $0x2000  }
0xbd: {  	[sflag:s17] =	ssyncset.done $0x0  }
0xbe: {  	[sflag:s17] =	ssyncadd.s32 $0xFFFFE000  }
0xbf: {  	_ =	swait.ge [sflag:s17], $0x2000  }
0xc0: {  	[sflag:s17] =	ssyncset.done $0x0  }
0xc1: {  	[sflag:s17] =	ssyncadd.s32 $0xFFFFE000  }
0xc2: {  	_ =	swait.ge [sflag:s17], $0x2000  }
0xc3: {  	[sflag:s17] =	ssyncset.done $0x0  }
0xc4: {  	[sflag:s17] =	ssyncadd.s32 $0xFFFFE000  }
0xc5: {  	_ =	swait.ge [sflag:s17], $0x2000  }
0xc6: {  	[sflag:s17] =	ssyncset.done $0x0  }
0xc7: {  	[sflag:s17] =	ssyncadd.s32 $0xFFFFE000  }
0xc8: {  	_ =	swait.ge [sflag:s17], $0x2000  }
0xc9: {  	[sflag:s17] =	ssyncset.done $0x0  }
0xca: {  	[sflag:s17] =	ssyncadd.s32 $0xFFFFE000  }
0xcb: {  	_ =	swait.ge [sflag:s17], $0x2000  }
0xcc: {  	[sflag:s17] =	ssyncset.done $0x0  }
0xcd: {  	[sflag:s17] =	ssyncadd.s32 $0xFFFFE000  }
0xce: {  	_ =	swait.ge [sflag:s17], $0x2000  }
0xcf: {  	[sflag:s17] =	ssyncset.done $0x0  }
0xd0: {  	[sflag:s17] =	ssyncadd.s32 $0xFFFFE000  }
0xd1: {  	_ =	swait.ge [sflag:s17], $0x2000  }
0xd2: {  	[sflag:s17] =	ssyncset.done $0x0  }
0xd3: {  	[sflag:s17] =	ssyncadd.s32 $0xFFFFE000  }
0xd4: {  	_ =	swait.ge [sflag:s17], $0x2000  }
0xd5: {  	[sflag:s17] =	ssyncset.done $0x0  }
0xd6: {  	[sflag:s17] =	ssyncadd.s32 $0xFFFFE000  }
0xd7: {  	_ =	swait.ge [sflag:s17], $0x2000  }
0xd8: {  	[sflag:s17] =	ssyncset.done $0x0  }
0xd9: {  	[sflag:s17] =	ssyncadd.s32 $0xFFFFE000  }
0xda: {  	_ =	swait.ge [sflag:s17], $0x2000  }
0xdb: {  	[sflag:s17] =	ssyncset.done $0x0  }
0xdc: {  	[sflag:s17] =	ssyncadd.s32 $0xFFFFE000  }
0xdd: {  	_ =	swait.ge [sflag:s17], $0x2000  }
0xde: {  	[sflag:s17] =	ssyncset.done $0x0  }
0xdf: {  	[sflag:s17] =	ssyncadd.s32 $0xFFFFE000  }
0xe0: {  	_ =	swait.ge [sflag:s17], $0x2000  }
0xe1: {  	[sflag:s17] =	ssyncset.done $0x0  }
0xe2: {  	[sflag:s17] =	ssyncadd.s32 $0xFFFFE000  }
0xe3: {  	_ =	swait.ge [sflag:s17], $0x2000  }
0xe4: {  	[sflag:s17] =	ssyncset.done $0x0  }
0xe5: {  	[sflag:s17] =	ssyncadd.s32 $0xFFFFE000  }
0xe6: {  	_ =	swait.ge [sflag:s17], $0x2000  }
0xe7: {  	[sflag:s17] =	ssyncset.done $0x0  }
0xe8: {  	[sflag:s17] =	ssyncadd.s32 $0xFFFFE000  }
0xe9: {  	_ =	swait.ge [sflag:s17], $0x2000  }
0xea: {  	[sflag:s17] =	ssyncset.done $0x0  }
0xeb: {  	[sflag:s17] =	ssyncadd.s32 $0xFFFFE000  }
0xec: {  	_ =	swait.ge [sflag:s17], $0x2000  }
0xed: {  	[sflag:s17] =	ssyncset.done $0x0  }
0xee: {  	s18 =	sadd.s32 $0x1, s18;
	[sflag:s17] =	ssyncadd.s32 $0xFFFFE000  }
0xef: {  	p1 =	sne.s32 s18, s15;
	_ =	swait.ge [sflag:s17], $0x2000  }
.Ltmp1:
0xf0: {  	[sflag:s17] =	ssyncset.done $0x0;
	(pc) =	sbr.rel @p1 .LBB2_1-.Ltmp1, $4  }
0xf1: {  	[sflag:s17] =	ssyncadd.s32 $0xFFFFE000  }
0xf2: {  	_ =	swait.ge [sflag:s17], $0x2000  }
0xf3: {  	[sflag:s17] =	ssyncset.done $0x0  }
0xf4: {  	[sflag:s17] =	ssyncadd.s32 $0xFFFFE000  }
0xf5: {  	_ =	sfence.sel $0x180000  }
0xf6: {  	[bflag:$0x0] =	sbarrier.arrive $0xFFFF  }
0xf7: {  	_ =	strace $0x90000047  }
0xf8: {  	[bflag:$0x2] =	sbarrier.arrive $0xFFFF  }
0xf9: {  	s0 =	rddreg [dreg:$0x3]  }
0xfa: {  	s0 =	sadd.s32 @!p0 $0x100000, s0  }
0xfb: {  	[sflag:s0] =	ssyncadd.tile.s32 @!p0 $0x1;
	_ =	shalt  }
.Lfunc_end2:
_tile_overlayer_lowered:
.L_overlay_start_2:
0xfc: {  	(tag) =	ssettag $0x2  }
0xfd: {  	s0 =	rddreg [dreg:$0x0];
	s2 =	stileid.u32  }
0xfe: {  	s1 =	rddreg [dreg:$0x1];
	p0 =	sne.s32 s2, $0x0  }
0xff: {  	s3 =	rddreg [dreg:$0x2];
	[bflag:$0x3] =	sbarrier.arrive $0xFFFF;
	s2 =	simm.s32 @!p0 $0x1C02  }
0x100: {  	[timem:s3], [sflag:s2] =	dma.local @!p0 [hbm:s0], s1  }
0x101: {  	s0 =	simm.s32 @!p0 $0x2  }
0x102: {  	_ =	swait.ge @!p0 [sflag:s0], s1  }
0x103: {  	s1 =	ssub.s32 @!p0 $0x0, s1;
	[sflag:s0] =	ssyncset.done @!p0 $0x0  }
0x104: {  	[sflag:s0] =	ssyncadd.s32 @!p0 s1  }
0x105: {  	[bflag:$0x3] =	sbarrier.arrive $0xFFFF  }
0x106: {  	_ =	shalt  }

</sc_bundles>
